<compile_context>
chip_gen: v7x
topology: tpu7x:2x2x1
jax: 0.10.2.dev20260603
libtpu: 0.0.44.dev20260713+nightly
codegen_flags: <defaults>
</compile_context>

<pallas_src>
import functools

import jax
import jax.numpy as jnp
from jax import lax
from jax.experimental import pallas as pl
from jax.experimental.pallas import tpu as pltpu
from jax.experimental.pallas import tpu_sc as plsc

NUM_EXPERTS = 8
TOP_K = 2
HIDDEN = 768
TOKENS = 32768

NW = 32
CHUNK = TOKENS // NW
LANES = 16
UNROLL = 8

BT = 4096


def _gate_kernel(x_ref, w_ref, logits_ref, aux_ref, acc_ref):
    i = pl.program_id(0)
    n = pl.num_programs(0)
    logits = lax.dot_general(
        w_ref[...], x_ref[...],
        dimension_numbers=(((1,), (1,)), ((), ())),
        preferred_element_type=jnp.float32,
    )
    logits_ref[...] = logits

    m = jnp.max(logits, axis=0, keepdims=True)
    e = jnp.exp(logits - m)
    s = jnp.sum(e, axis=0, keepdims=True)
    p = e / s
    part = p.reshape(NUM_EXPERTS, BT // 128, 128).sum(axis=1)

    @pl.when(i == 0)
    def _():
        acc_ref[...] = part

    @pl.when(i > 0)
    def _():
        acc_ref[...] = acc_ref[...] + part

    @pl.when(i == n - 1)
    def _():
        mean = jnp.sum(acc_ref[...], axis=1) / float(TOKENS)
        aux_ref[0, 0] = float(NUM_EXPERTS) * jnp.sum(mean * mean)


_router_mesh = plsc.VectorSubcoreMesh(core_axis_name="c", subcore_axis_name="s")


@functools.partial(
    pl.kernel,
    mesh=_router_mesh,
    out_type=[
        jax.ShapeDtypeStruct((TOP_K, TOKENS), jnp.float32),
        jax.ShapeDtypeStruct((TOP_K, TOKENS), jnp.int32),
    ],
    scratch_types=[
        pltpu.VMEM((NUM_EXPERTS, CHUNK), jnp.float32),
        pltpu.VMEM((TOP_K, CHUNK), jnp.float32),
        pltpu.VMEM((TOP_K, CHUNK), jnp.int32),
        pltpu.SemaphoreType.DMA,
    ],
)
def _router(logits_hbm, probs_hbm, idx_hbm, blk, po, io, sem):
    wid = lax.axis_index("s") * 2 + lax.axis_index("c")
    pltpu.sync_copy(logits_hbm.at[:, pl.ds(wid * CHUNK, CHUNK)], blk)

    zeros_i = jnp.zeros((LANES,), jnp.int32)

    def group(o):
        v = [blk[e, pl.ds(o, LANES)] for e in range(NUM_EXPERTS)]
        m1 = v[0]
        for e in range(1, NUM_EXPERTS):
            m1 = jnp.maximum(m1, v[e])
        i1 = zeros_i
        for e in range(NUM_EXPERTS - 1, -1, -1):
            i1 = jnp.where(v[e] == m1, jnp.full((LANES,), e, jnp.int32), i1)
        sel = [jnp.where(i1 == e, jnp.float32(-jnp.inf), v[e])
               for e in range(NUM_EXPERTS)]
        m2 = sel[0]
        for e in range(1, NUM_EXPERTS):
            m2 = jnp.maximum(m2, sel[e])
        i2 = zeros_i
        for e in range(NUM_EXPERTS - 1, -1, -1):
            i2 = jnp.where(sel[e] == m2, jnp.full((LANES,), e, jnp.int32), i2)
        q = jnp.exp(m2 - m1)
        p1 = 1.0 / (1.0 + q)
        p2 = q * p1
        po[0, pl.ds(o, LANES)] = p1
        po[1, pl.ds(o, LANES)] = p2
        io[0, pl.ds(o, LANES)] = i1
        io[1, pl.ds(o, LANES)] = i2

    def body(t, _):
        base = t * (LANES * UNROLL)
        for u in range(UNROLL):
            group(base + u * LANES)
        return 0

    lax.fori_loop(0, CHUNK // (LANES * UNROLL), body, 0)

    h0 = pltpu.async_copy(po, probs_hbm.at[:, pl.ds(wid * CHUNK, CHUNK)], sem)
    h1 = pltpu.async_copy(io, idx_hbm.at[:, pl.ds(wid * CHUNK, CHUNK)], sem)
    h0.wait()
    h1.wait()


def kernel(hidden_states, gate_w):
    grid = TOKENS // BT
    logits2, aux = pl.pallas_call(
        _gate_kernel,
        grid=(grid,),
        in_specs=[
            pl.BlockSpec((BT, HIDDEN), lambda i: (i, 0)),
            pl.BlockSpec((NUM_EXPERTS, HIDDEN), lambda i: (0, 0)),
        ],
        out_specs=[
            pl.BlockSpec((NUM_EXPERTS, BT), lambda i: (0, i)),
            pl.BlockSpec(memory_space=pltpu.SMEM),
        ],
        out_shape=[
            jax.ShapeDtypeStruct((NUM_EXPERTS, TOKENS), jnp.float32),
            jax.ShapeDtypeStruct((1, 1), jnp.float32),
        ],
        scratch_shapes=[pltpu.VMEM((NUM_EXPERTS, 128), jnp.float32)],
    )(hidden_states, gate_w)
    topk_probs, topk_idx = _router(logits2)
    return topk_probs.T, topk_idx.T, aux[0, 0]

# --- scband reference (transcript-rebuilt; emitter-appended) ---
"""Pipeline reference for scband-top-kgating-sim-343597384111 (READ-ONLY COPY).

The authoritative reference and input builder live on the scoring server;
editing this copy changes nothing except your own understanding.
"""

import jax, jax.numpy as jnp
import numpy as np

NUM_EXPERTS = 8
TOP_K = 2
HIDDEN = 768
TOKENS = 32768


def setup_inputs(seed: int = 0) -> dict:
    key = jax.random.key(seed)
    k1, k2 = jax.random.split(key)
    hidden_states = jax.random.normal(k1, (TOKENS, HIDDEN), dtype=jnp.float32)
    # nn.Linear(hidden_size, num_experts, bias=False) weight: [num_experts, hidden_size]
    gate_w = jax.random.normal(k2, (NUM_EXPERTS, HIDDEN), dtype=jnp.float32) * 0.02
    return {"hidden_states": hidden_states, "gate_w": gate_w}


def reference(hidden_states, gate_w):
    # hidden_states: [num_tokens, hidden] (already 2D)
    router_logits = hidden_states @ gate_w.T  # [num_tokens, num_experts]
    router_probs_full = jax.nn.softmax(router_logits, axis=-1)
    topk_probs, topk_indices = jax.lax.top_k(router_probs_full, TOP_K)
    topk_probs = topk_probs / jnp.sum(topk_probs, axis=-1, keepdims=True)
    router_probs_mean = jnp.mean(router_probs_full, axis=0)
    aux_loss = NUM_EXPERTS * jnp.sum(router_probs_mean ** 2)
    return (topk_probs, topk_indices, aux_loss)

if __name__ == "__main__":
    import jax
    _d = setup_inputs()
    print(jax.jit(kernel)(*tuple(_d.values())))

</pallas_src>

<mosaic_0001>
#map = affine_map<(d0, d1) -> (0, 0)>
module attributes {stable_mosaic.version = 14 : i64} {
  func.func @_router(%arg0: i32, %arg1: i32, %arg2: memref<8x32768xf32, #tpu.memory_space<hbm>>, %arg3: memref<2x32768xf32, #tpu.memory_space<hbm>>, %arg4: memref<2x32768xi32, #tpu.memory_space<hbm>>, %arg5: memref<8x1024xf32, #tpu.memory_space<vmem>>, %arg6: memref<2x1024xf32, #tpu.memory_space<vmem>>, %arg7: memref<2x1024xi32, #tpu.memory_space<vmem>>, %arg8: memref<!tpu.dma_semaphore, #tpu.memory_space<semaphore_mem>>) attributes {dimension_semantics = [#tpu.dimension_semantics<core_parallel>, #tpu.dimension_semantics<subcore_parallel>], iteration_bounds = array<i64: 2, 16>, scalar_prefetch = 0 : i64, scratch_operands = 4 : i64, tpu.core_type = #tpu.core_type<sc_vector_subcore>, window_params = [{transform_indices = #map}, {transform_indices = #map}, {transform_indices = #map}]} {
    %mul3A = arith.constant 2 : i32
    %mul3A_0 = arith.muli %arg1, %mul3A : i32
    %add3A = arith.addi %mul3A_0, %arg0 : i32
    %mul3A_1 = arith.constant 1024 : i32
    %mul3A_2 = arith.muli %add3A, %mul3A_1 : i32
    "tpu.region"() ({
      %run_scoped3A = tpu.sem_alloc : memref<!tpu.dma_semaphore, #tpu.memory_space<semaphore_mem>>
      %dma_start3A_28 = arith.constant 0 : i32
      %dma_start3A_29 = tpu.memref_slice %arg2[%dma_start3A_28, %mul3A_2] : memref<8x32768xf32, #tpu.memory_space<hbm>> -> memref<8x1024xf32, #tpu.memory_space<hbm>>
      %dma_start3A_30 = arith.constant 0 : i32
      %dma_start3A_31 = tpu.memref_slice %arg2[%dma_start3A_30, %mul3A_2] : memref<8x32768xf32, #tpu.memory_space<hbm>> -> memref<8x1024xf32, #tpu.memory_space<hbm>>
      tpu.enqueue_dma source(%dma_start3A_31 : memref<8x1024xf32, #tpu.memory_space<hbm>>) target(%arg5 : memref<8x1024xf32, #tpu.memory_space<vmem>>) target_semaphore(%run_scoped3A : memref<!tpu.dma_semaphore, #tpu.memory_space<semaphore_mem>>)
      %dma_wait3A_32 = arith.constant 0 : i32
      %dma_wait3A_33 = tpu.memref_slice %arg2[%dma_wait3A_32, %mul3A_2] : memref<8x32768xf32, #tpu.memory_space<hbm>> -> memref<8x1024xf32, #tpu.memory_space<hbm>>
      %dma_wait3A_34 = arith.constant 0 : i32
      %dma_wait3A_35 = tpu.memref_slice %arg2[%dma_wait3A_34, %mul3A_2] : memref<8x32768xf32, #tpu.memory_space<hbm>> -> memref<8x1024xf32, #tpu.memory_space<hbm>>
      tpu.wait_dma2 semaphore(%run_scoped3A : memref<!tpu.dma_semaphore, #tpu.memory_space<semaphore_mem>>) src(%dma_wait3A_35 : memref<8x1024xf32, #tpu.memory_space<hbm>>) dst(%arg5 : memref<8x1024xf32, #tpu.memory_space<vmem>>)
      tpu.yield
    }) : () -> ()
    %broadcast_in_dim3A = arith.constant 0 : i32
    %broadcast_in_dim3A_3 = vector.broadcast %broadcast_in_dim3A : i32 to vector<16xi32>
    %scan3A = arith.constant 0 : i32
    %scan3A_4 = arith.constant 0 : i32
    %scan3A_5 = arith.constant 8 : i32
    %scan3A_6 = arith.addi %scan3A_4, %scan3A_5 : i32
    %scan3A_7 = arith.constant 1 : i32
    %scan3A_8 = scf.for %scan3A_28 = %scan3A_4 to %scan3A_6 step %scan3A_7 iter_args(%scan3A_29 = %scan3A) -> (i32)  : i32 {
      %mul3A_30 = arith.constant 128 : i32
      %mul3A_31 = arith.muli %scan3A_28, %mul3A_30 : i32
      %add3A_32 = arith.constant 0 : i32
      %add3A_33 = arith.addi %mul3A_31, %add3A_32 : i32
      %get3A = arith.constant 0 : i32
      %get3A_34 = arith.index_cast %get3A : i32 to index
      %get3A_35 = arith.index_cast %add3A_33 : i32 to index
      %get3A_36 = tpu.vector_load %arg5[%get3A_34, %get3A_35] {strides = array<i32>} : memref<8x1024xf32, #tpu.memory_space<vmem>>, vector<1x16xf32>,
      %get3A_37 = vector.shape_cast %get3A_36 : vector<1x16xf32> to vector<16xf32>
      %get3A_38 = arith.constant 1 : i32
      %get3A_39 = arith.index_cast %get3A_38 : i32 to index
      %get3A_40 = arith.index_cast %add3A_33 : i32 to index
      %get3A_41 = tpu.vector_load %arg5[%get3A_39, %get3A_40] {strides = array<i32>} : memref<8x1024xf32, #tpu.memory_space<vmem>>, vector<1x16xf32>,
      %get3A_42 = vector.shape_cast %get3A_41 : vector<1x16xf32> to vector<16xf32>
      %get3A_43 = arith.constant 2 : i32
      %get3A_44 = arith.index_cast %get3A_43 : i32 to index
      %get3A_45 = arith.index_cast %add3A_33 : i32 to index
      %get3A_46 = tpu.vector_load %arg5[%get3A_44, %get3A_45] {strides = array<i32>} : memref<8x1024xf32, #tpu.memory_space<vmem>>, vector<1x16xf32>,
      %get3A_47 = vector.shape_cast %get3A_46 : vector<1x16xf32> to vector<16xf32>
      %get3A_48 = arith.constant 3 : i32
      %get3A_49 = arith.index_cast %get3A_48 : i32 to index
      %get3A_50 = arith.index_cast %add3A_33 : i32 to index
      %get3A_51 = tpu.vector_load %arg5[%get3A_49, %get3A_50] {strides = array<i32>} : memref<8x1024xf32, #tpu.memory_space<vmem>>, vector<1x16xf32>,
      %get3A_52 = vector.shape_cast %get3A_51 : vector<1x16xf32> to vector<16xf32>
      %get3A_53 = arith.constant 4 : i32
      %get3A_54 = arith.index_cast %get3A_53 : i32 to index
      %get3A_55 = arith.index_cast %add3A_33 : i32 to index
      %get3A_56 = tpu.vector_load %arg5[%get3A_54, %get3A_55] {strides = array<i32>} : memref<8x1024xf32, #tpu.memory_space<vmem>>, vector<1x16xf32>,
      %get3A_57 = vector.shape_cast %get3A_56 : vector<1x16xf32> to vector<16xf32>
      %get3A_58 = arith.constant 5 : i32
      %get3A_59 = arith.index_cast %get3A_58 : i32 to index
      %get3A_60 = arith.index_cast %add3A_33 : i32 to index
      %get3A_61 = tpu.vector_load %arg5[%get3A_59, %get3A_60] {strides = array<i32>} : memref<8x1024xf32, #tpu.memory_space<vmem>>, vector<1x16xf32>,
      %get3A_62 = vector.shape_cast %get3A_61 : vector<1x16xf32> to vector<16xf32>
      %get3A_63 = arith.constant 6 : i32
      %get3A_64 = arith.index_cast %get3A_63 : i32 to index
      %get3A_65 = arith.index_cast %add3A_33 : i32 to index
      %get3A_66 = tpu.vector_load %arg5[%get3A_64, %get3A_65] {strides = array<i32>} : memref<8x1024xf32, #tpu.memory_space<vmem>>, vector<1x16xf32>,
      %get3A_67 = vector.shape_cast %get3A_66 : vector<1x16xf32> to vector<16xf32>
      %get3A_68 = arith.constant 7 : i32
      %get3A_69 = arith.index_cast %get3A_68 : i32 to index
      %get3A_70 = arith.index_cast %add3A_33 : i32 to index
      %get3A_71 = tpu.vector_load %arg5[%get3A_69, %get3A_70] {strides = array<i32>} : memref<8x1024xf32, #tpu.memory_space<vmem>>, vector<1x16xf32>,
      %get3A_72 = vector.shape_cast %get3A_71 : vector<1x16xf32> to vector<16xf32>
      %max3A = arith.maximumf %get3A_37, %get3A_42 : vector<16xf32>
      %max3A_73 = arith.maximumf %max3A, %get3A_47 : vector<16xf32>
      %max3A_74 = arith.maximumf %max3A_73, %get3A_52 : vector<16xf32>
      %max3A_75 = arith.maximumf %max3A_74, %get3A_57 : vector<16xf32>
      %max3A_76 = arith.maximumf %max3A_75, %get3A_62 : vector<16xf32>
      %max3A_77 = arith.maximumf %max3A_76, %get3A_67 : vector<16xf32>
      %max3A_78 = arith.maximumf %max3A_77, %get3A_72 : vector<16xf32>
      %eq3A = arith.cmpf oeq, %get3A_72, %max3A_78 : vector<16xf32>
      %broadcast_in_dim3A_79 = arith.constant 7 : i32
      %broadcast_in_dim3A_80 = vector.broadcast %broadcast_in_dim3A_79 : i32 to vector<16xi32>
      %select_n3A = arith.select %eq3A, %broadcast_in_dim3A_80, %broadcast_in_dim3A_3 : vector<16xi1>, vector<16xi32>
      %eq3A_81 = arith.cmpf oeq, %get3A_67, %max3A_78 : vector<16xf32>
      %broadcast_in_dim3A_82 = arith.constant 6 : i32
      %broadcast_in_dim3A_83 = vector.broadcast %broadcast_in_dim3A_82 : i32 to vector<16xi32>
      %select_n3A_84 = arith.select %eq3A_81, %broadcast_in_dim3A_83, %select_n3A : vector<16xi1>, vector<16xi32>
      %eq3A_85 = arith.cmpf oeq, %get3A_62, %max3A_78 : vector<16xf32>
      %broadcast_in_dim3A_86 = arith.constant 5 : i32
      %broadcast_in_dim3A_87 = vector.broadcast %broadcast_in_dim3A_86 : i32 to vector<16xi32>
      %select_n3A_88 = arith.select %eq3A_85, %broadcast_in_dim3A_87, %select_n3A_84 : vector<16xi1>, vector<16xi32>
      %eq3A_89 = arith.cmpf oeq, %get3A_57, %max3A_78 : vector<16xf32>
      %broadcast_in_dim3A_90 = arith.constant 4 : i32
      %broadcast_in_dim3A_91 = vector.broadcast %broadcast_in_dim3A_90 : i32 to vector<16xi32>
      %select_n3A_92 = arith.select %eq3A_89, %broadcast_in_dim3A_91, %select_n3A_88 : vector<16xi1>, vector<16xi32>
      %eq3A_93 = arith.cmpf oeq, %get3A_52, %max3A_78 : vector<16xf32>
      %broadcast_in_dim3A_94 = arith.constant 3 : i32
      %broadcast_in_dim3A_95 = vector.broadcast %broadcast_in_dim3A_94 : i32 to vector<16xi32>
      %select_n3A_96 = arith.select %eq3A_93, %broadcast_in_dim3A_95, %select_n3A_92 : vector<16xi1>, vector<16xi32>
      %eq3A_97 = arith.cmpf oeq, %get3A_47, %max3A_78 : vector<16xf32>
      %broadcast_in_dim3A_98 = arith.constant 2 : i32
      %broadcast_in_dim3A_99 = vector.broadcast %broadcast_in_dim3A_98 : i32 to vector<16xi32>
      %select_n3A_100 = arith.select %eq3A_97, %broadcast_in_dim3A_99, %select_n3A_96 : vector<16xi1>, vector<16xi32>
      %eq3A_101 = arith.cmpf oeq, %get3A_42, %max3A_78 : vector<16xf32>
      %broadcast_in_dim3A_102 = arith.constant 1 : i32
      %broadcast_in_dim3A_103 = vector.broadcast %broadcast_in_dim3A_102 : i32 to vector<16xi32>
      %select_n3A_104 = arith.select %eq3A_101, %broadcast_in_dim3A_103, %select_n3A_100 : vector<16xi1>, vector<16xi32>
      %eq3A_105 = arith.cmpf oeq, %get3A_37, %max3A_78 : vector<16xf32>
      %broadcast_in_dim3A_106 = arith.constant 0 : i32
      %broadcast_in_dim3A_107 = vector.broadcast %broadcast_in_dim3A_106 : i32 to vector<16xi32>
      %select_n3A_108 = arith.select %eq3A_105, %broadcast_in_dim3A_107, %select_n3A_104 : vector<16xi1>, vector<16xi32>
      %eq3A_109 = arith.constant 0 : i32
      %eq3A_110 = vector.broadcast %eq3A_109 : i32 to vector<16xi32>
      %eq3A_111 = arith.cmpi eq, %select_n3A_108, %eq3A_110 : vector<16xi32>
      %jit3A = arith.constant 0xFF800000 : f32
      %broadcast_in_dim3A_112 = vector.broadcast %jit3A : f32 to vector<16xf32>
      %select_n3A_113 = arith.select %eq3A_111, %broadcast_in_dim3A_112, %get3A_37 : vector<16xi1>, vector<16xf32>
      %eq3A_114 = arith.constant 1 : i32
      %eq3A_115 = vector.broadcast %eq3A_114 : i32 to vector<16xi32>
      %eq3A_116 = arith.cmpi eq, %select_n3A_108, %eq3A_115 : vector<16xi32>
      %jit3A_117 = arith.constant 0xFF800000 : f32
      %broadcast_in_dim3A_118 = vector.broadcast %jit3A_117 : f32 to vector<16xf32>
      %select_n3A_119 = arith.select %eq3A_116, %broadcast_in_dim3A_118, %get3A_42 : vector<16xi1>, vector<16xf32>
      %eq3A_120 = arith.constant 2 : i32
      %eq3A_121 = vector.broadcast %eq3A_120 : i32 to vector<16xi32>
      %eq3A_122 = arith.cmpi eq, %select_n3A_108, %eq3A_121 : vector<16xi32>
      %jit3A_123 = arith.constant 0xFF800000 : f32
      %broadcast_in_dim3A_124 = vector.broadcast %jit3A_123 : f32 to vector<16xf32>
      %select_n3A_125 = arith.select %eq3A_122, %broadcast_in_dim3A_124, %get3A_47 : vector<16xi1>, vector<16xf32>
      %eq3A_126 = arith.constant 3 : i32
      %eq3A_127 = vector.broadcast %eq3A_126 : i32 to vector<16xi32>
      %eq3A_128 = arith.cmpi eq, %select_n3A_108, %eq3A_127 : vector<16xi32>
      %jit3A_129 = arith.constant 0xFF800000 : f32
      %broadcast_in_dim3A_130 = vector.broadcast %jit3A_129 : f32 to vector<16xf32>
      %select_n3A_131 = arith.select %eq3A_128, %broadcast_in_dim3A_130, %get3A_52 : vector<16xi1>, vector<16xf32>
      %eq3A_132 = arith.constant 4 : i32
      %eq3A_133 = vector.broadcast %eq3A_132 : i32 to vector<16xi32>
      %eq3A_134 = arith.cmpi eq, %select_n3A_108, %eq3A_133 : vector<16xi32>
      %jit3A_135 = arith.constant 0xFF800000 : f32
      %broadcast_in_dim3A_136 = vector.broadcast %jit3A_135 : f32 to vector<16xf32>
      %select_n3A_137 = arith.select %eq3A_134, %broadcast_in_dim3A_136, %get3A_57 : vector<16xi1>, vector<16xf32>
      %eq3A_138 = arith.constant 5 : i32
      %eq3A_139 = vector.broadcast %eq3A_138 : i32 to vector<16xi32>
      %eq3A_140 = arith.cmpi eq, %select_n3A_108, %eq3A_139 : vector<16xi32>
      %jit3A_141 = arith.constant 0xFF800000 : f32
      %broadcast_in_dim3A_142 = vector.broadcast %jit3A_141 : f32 to vector<16xf32>
      %select_n3A_143 = arith.select %eq3A_140, %broadcast_in_dim3A_142, %get3A_62 : vector<16xi1>, vector<16xf32>
      %eq3A_144 = arith.constant 6 : i32
      %eq3A_145 = vector.broadcast %eq3A_144 : i32 to vector<16xi32>
      %eq3A_146 = arith.cmpi eq, %select_n3A_108, %eq3A_145 : vector<16xi32>
      %jit3A_147 = arith.constant 0xFF800000 : f32
      %broadcast_in_dim3A_148 = vector.broadcast %jit3A_147 : f32 to vector<16xf32>
      %select_n3A_149 = arith.select %eq3A_146, %broadcast_in_dim3A_148, %get3A_67 : vector<16xi1>, vector<16xf32>
      %eq3A_150 = arith.constant 7 : i32
      %eq3A_151 = vector.broadcast %eq3A_150 : i32 to vector<16xi32>
      %eq3A_152 = arith.cmpi eq, %select_n3A_108, %eq3A_151 : vector<16xi32>
      %jit3A_153 = arith.constant 0xFF800000 : f32
      %broadcast_in_dim3A_154 = vector.broadcast %jit3A_153 : f32 to vector<16xf32>
      %select_n3A_155 = arith.select %eq3A_152, %broadcast_in_dim3A_154, %get3A_72 : vector<16xi1>, vector<16xf32>
      %max3A_156 = arith.maximumf %select_n3A_113, %select_n3A_119 : vector<16xf32>
      %max3A_157 = arith.maximumf %max3A_156, %select_n3A_125 : vector<16xf32>
      %max3A_158 = arith.maximumf %max3A_157, %select_n3A_131 : vector<16xf32>
      %max3A_159 = arith.maximumf %max3A_158, %select_n3A_137 : vector<16xf32>
      %max3A_160 = arith.maximumf %max3A_159, %select_n3A_143 : vector<16xf32>
      %max3A_161 = arith.maximumf %max3A_160, %select_n3A_149 : vector<16xf32>
      %max3A_162 = arith.maximumf %max3A_161, %select_n3A_155 : vector<16xf32>
      %eq3A_163 = arith.cmpf oeq, %select_n3A_155, %max3A_162 : vector<16xf32>
      %broadcast_in_dim3A_164 = arith.constant 7 : i32
      %broadcast_in_dim3A_165 = vector.broadcast %broadcast_in_dim3A_164 : i32 to vector<16xi32>
      %select_n3A_166 = arith.select %eq3A_163, %broadcast_in_dim3A_165, %broadcast_in_dim3A_3 : vector<16xi1>, vector<16xi32>
      %eq3A_167 = arith.cmpf oeq, %select_n3A_149, %max3A_162 : vector<16xf32>
      %broadcast_in_dim3A_168 = arith.constant 6 : i32
      %broadcast_in_dim3A_169 = vector.broadcast %broadcast_in_dim3A_168 : i32 to vector<16xi32>
      %select_n3A_170 = arith.select %eq3A_167, %broadcast_in_dim3A_169, %select_n3A_166 : vector<16xi1>, vector<16xi32>
      %eq3A_171 = arith.cmpf oeq, %select_n3A_143, %max3A_162 : vector<16xf32>
      %broadcast_in_dim3A_172 = arith.constant 5 : i32
      %broadcast_in_dim3A_173 = vector.broadcast %broadcast_in_dim3A_172 : i32 to vector<16xi32>
      %select_n3A_174 = arith.select %eq3A_171, %broadcast_in_dim3A_173, %select_n3A_170 : vector<16xi1>, vector<16xi32>
      %eq3A_175 = arith.cmpf oeq, %select_n3A_137, %max3A_162 : vector<16xf32>
      %broadcast_in_dim3A_176 = arith.constant 4 : i32
      %broadcast_in_dim3A_177 = vector.broadcast %broadcast_in_dim3A_176 : i32 to vector<16xi32>
      %select_n3A_178 = arith.select %eq3A_175, %broadcast_in_dim3A_177, %select_n3A_174 : vector<16xi1>, vector<16xi32>
      %eq3A_179 = arith.cmpf oeq, %select_n3A_131, %max3A_162 : vector<16xf32>
      %broadcast_in_dim3A_180 = arith.constant 3 : i32
      %broadcast_in_dim3A_181 = vector.broadcast %broadcast_in_dim3A_180 : i32 to vector<16xi32>
      %select_n3A_182 = arith.select %eq3A_179, %broadcast_in_dim3A_181, %select_n3A_178 : vector<16xi1>, vector<16xi32>
      %eq3A_183 = arith.cmpf oeq, %select_n3A_125, %max3A_162 : vector<16xf32>
      %broadcast_in_dim3A_184 = arith.constant 2 : i32
      %broadcast_in_dim3A_185 = vector.broadcast %broadcast_in_dim3A_184 : i32 to vector<16xi32>
      %select_n3A_186 = arith.select %eq3A_183, %broadcast_in_dim3A_185, %select_n3A_182 : vector<16xi1>, vector<16xi32>
      %eq3A_187 = arith.cmpf oeq, %select_n3A_119, %max3A_162 : vector<16xf32>
      %broadcast_in_dim3A_188 = arith.constant 1 : i32
      %broadcast_in_dim3A_189 = vector.broadcast %broadcast_in_dim3A_188 : i32 to vector<16xi32>
      %select_n3A_190 = arith.select %eq3A_187, %broadcast_in_dim3A_189, %select_n3A_186 : vector<16xi1>, vector<16xi32>
      %eq3A_191 = arith.cmpf oeq, %select_n3A_113, %max3A_162 : vector<16xf32>
      %broadcast_in_dim3A_192 = arith.constant 0 : i32
      %broadcast_in_dim3A_193 = vector.broadcast %broadcast_in_dim3A_192 : i32 to vector<16xi32>
      %select_n3A_194 = arith.select %eq3A_191, %broadcast_in_dim3A_193, %select_n3A_190 : vector<16xi1>, vector<16xi32>
      %sub3A = arith.subf %max3A_162, %max3A_78 : vector<16xf32>
      %exp3A = math.exp %sub3A : vector<16xf32>
      %add3A_195 = arith.constant 1.000000e+00 : f32
      %add3A_196 = vector.broadcast %add3A_195 : f32 to vector<16xf32>
      %add3A_197 = arith.addf %add3A_196, %exp3A : vector<16xf32>
      %div3A = arith.constant 1.000000e+00 : f32
      %div3A_198 = vector.broadcast %div3A : f32 to vector<16xf32>
      %div3A_199 = arith.divf %div3A_198, %add3A_197 : vector<16xf32>
      %mul3A_200 = arith.mulf %exp3A, %div3A_199 : vector<16xf32>
      %swap3A = arith.constant 0 : i32
      %swap3A_201 = arith.index_cast %swap3A : i32 to index
      %swap3A_202 = arith.index_cast %add3A_33 : i32 to index
      %swap3A_203 = tpu.vector_load %arg6[%swap3A_201, %swap3A_202] {strides = array<i32>} : memref<2x1024xf32, #tpu.memory_space<vmem>>, vector<1x16xf32>,
      %swap3A_204 = vector.shape_cast %swap3A_203 : vector<1x16xf32> to vector<16xf32>
      %swap3A_205 = vector.shape_cast %div3A_199 : vector<16xf32> to vector<1x16xf32>
      tpu.vector_store %arg6[%swap3A_201, %swap3A_202], %swap3A_205 {strides = array<i32>} : memref<2x1024xf32, #tpu.memory_space<vmem>>, vector<1x16xf32>,
      %swap3A_206 = arith.constant 1 : i32
      %swap3A_207 = arith.index_cast %swap3A_206 : i32 to index
      %swap3A_208 = arith.index_cast %add3A_33 : i32 to index
      %swap3A_209 = tpu.vector_load %arg6[%swap3A_207, %swap3A_208] {strides = array<i32>} : memref<2x1024xf32, #tpu.memory_space<vmem>>, vector<1x16xf32>,
      %swap3A_210 = vector.shape_cast %swap3A_209 : vector<1x16xf32> to vector<16xf32>
      %swap3A_211 = vector.shape_cast %mul3A_200 : vector<16xf32> to vector<1x16xf32>
      tpu.vector_store %arg6[%swap3A_207, %swap3A_208], %swap3A_211 {strides = array<i32>} : memref<2x1024xf32, #tpu.memory_space<vmem>>, vector<1x16xf32>,
      %swap3A_212 = arith.constant 0 : i32
      %swap3A_213 = arith.index_cast %swap3A_212 : i32 to index
      %swap3A_214 = arith.index_cast %add3A_33 : i32 to index
      %swap3A_215 = tpu.vector_load %arg7[%swap3A_213, %swap3A_214] {strides = array<i32>} : memref<2x1024xi32, #tpu.memory_space<vmem>>, vector<1x16xi32>,
      %swap3A_216 = vector.shape_cast %swap3A_215 : vector<1x16xi32> to vector<16xi32>
      %swap3A_217 = vector.shape_cast %select_n3A_108 : vector<16xi32> to vector<1x16xi32>
      tpu.vector_store %arg7[%swap3A_213, %swap3A_214], %swap3A_217 {strides = array<i32>} : memref<2x1024xi32, #tpu.memory_space<vmem>>, vector<1x16xi32>,
      %swap3A_218 = arith.constant 1 : i32
      %swap3A_219 = arith.index_cast %swap3A_218 : i32 to index
      %swap3A_220 = arith.index_cast %add3A_33 : i32 to index
      %swap3A_221 = tpu.vector_load %arg7[%swap3A_219, %swap3A_220] {strides = array<i32>} : memref<2x1024xi32, #tpu.memory_space<vmem>>, vector<1x16xi32>,
      %swap3A_222 = vector.shape_cast %swap3A_221 : vector<1x16xi32> to vector<16xi32>
      %swap3A_223 = vector.shape_cast %select_n3A_194 : vector<16xi32> to vector<1x16xi32>
      tpu.vector_store %arg7[%swap3A_219, %swap3A_220], %swap3A_223 {strides = array<i32>} : memref<2x1024xi32, #tpu.memory_space<vmem>>, vector<1x16xi32>,
      %add3A_224 = arith.constant 16 : i32
      %add3A_225 = arith.addi %mul3A_31, %add3A_224 : i32
      %get3A_226 = arith.constant 0 : i32
      %get3A_227 = arith.index_cast %get3A_226 : i32 to index
      %get3A_228 = arith.index_cast %add3A_225 : i32 to index
      %get3A_229 = tpu.vector_load %arg5[%get3A_227, %get3A_228] {strides = array<i32>} : memref<8x1024xf32, #tpu.memory_space<vmem>>, vector<1x16xf32>,
      %get3A_230 = vector.shape_cast %get3A_229 : vector<1x16xf32> to vector<16xf32>
      %get3A_231 = arith.constant 1 : i32
      %get3A_232 = arith.index_cast %get3A_231 : i32 to index
      %get3A_233 = arith.index_cast %add3A_225 : i32 to index
      %get3A_234 = tpu.vector_load %arg5[%get3A_232, %get3A_233] {strides = array<i32>} : memref<8x1024xf32, #tpu.memory_space<vmem>>, vector<1x16xf32>,
      %get3A_235 = vector.shape_cast %get3A_234 : vector<1x16xf32> to vector<16xf32>
      %get3A_236 = arith.constant 2 : i32
      %get3A_237 = arith.index_cast %get3A_236 : i32 to index
      %get3A_238 = arith.index_cast %add3A_225 : i32 to index
      %get3A_239 = tpu.vector_load %arg5[%get3A_237, %get3A_238] {strides = array<i32>} : memref<8x1024xf32, #tpu.memory_space<vmem>>, vector<1x16xf32>,
      %get3A_240 = vector.shape_cast %get3A_239 : vector<1x16xf32> to vector<16xf32>
      %get3A_241 = arith.constant 3 : i32
      %get3A_242 = arith.index_cast %get3A_241 : i32 to index
      %get3A_243 = arith.index_cast %add3A_225 : i32 to index
      %get3A_244 = tpu.vector_load %arg5[%get3A_242, %get3A_243] {strides = array<i32>} : memref<8x1024xf32, #tpu.memory_space<vmem>>, vector<1x16xf32>,
      %get3A_245 = vector.shape_cast %get3A_244 : vector<1x16xf32> to vector<16xf32>
      %get3A_246 = arith.constant 4 : i32
      %get3A_247 = arith.index_cast %get3A_246 : i32 to index
      %get3A_248 = arith.index_cast %add3A_225 : i32 to index
      %get3A_249 = tpu.vector_load %arg5[%get3A_247, %get3A_248] {strides = array<i32>} : memref<8x1024xf32, #tpu.memory_space<vmem>>, vector<1x16xf32>,
      %get3A_250 = vector.shape_cast %get3A_249 : vector<1x16xf32> to vector<16xf32>
      %get3A_251 = arith.constant 5 : i32
      %get3A_252 = arith.index_cast %get3A_251 : i32 to index
      %get3A_253 = arith.index_cast %add3A_225 : i32 to index
      %get3A_254 = tpu.vector_load %arg5[%get3A_252, %get3A_253] {strides = array<i32>} : memref<8x1024xf32, #tpu.memory_space<vmem>>, vector<1x16xf32>,
      %get3A_255 = vector.shape_cast %get3A_254 : vector<1x16xf32> to vector<16xf32>
      %get3A_256 = arith.constant 6 : i32
      %get3A_257 = arith.index_cast %get3A_256 : i32 to index
      %get3A_258 = arith.index_cast %add3A_225 : i32 to index
      %get3A_259 = tpu.vector_load %arg5[%get3A_257, %get3A_258] {strides = array<i32>} : memref<8x1024xf32, #tpu.memory_space<vmem>>, vector<1x16xf32>,
      %get3A_260 = vector.shape_cast %get3A_259 : vector<1x16xf32> to vector<16xf32>
      %get3A_261 = arith.constant 7 : i32
      %get3A_262 = arith.index_cast %get3A_261 : i32 to index
      %get3A_263 = arith.index_cast %add3A_225 : i32 to index
      %get3A_264 = tpu.vector_load %arg5[%get3A_262, %get3A_263] {strides = array<i32>} : memref<8x1024xf32, #tpu.memory_space<vmem>>, vector<1x16xf32>,
      %get3A_265 = vector.shape_cast %get3A_264 : vector<1x16xf32> to vector<16xf32>
      %max3A_266 = arith.maximumf %get3A_230, %get3A_235 : vector<16xf32>
      %max3A_267 = arith.maximumf %max3A_266, %get3A_240 : vector<16xf32>
      %max3A_268 = arith.maximumf %max3A_267, %get3A_245 : vector<16xf32>
      %max3A_269 = arith.maximumf %max3A_268, %get3A_250 : vector<16xf32>
      %max3A_270 = arith.maximumf %max3A_269, %get3A_255 : vector<16xf32>
      %max3A_271 = arith.maximumf %max3A_270, %get3A_260 : vector<16xf32>
      %max3A_272 = arith.maximumf %max3A_271, %get3A_265 : vector<16xf32>
      %eq3A_273 = arith.cmpf oeq, %get3A_265, %max3A_272 : vector<16xf32>
      %broadcast_in_dim3A_274 = arith.constant 7 : i32
      %broadcast_in_dim3A_275 = vector.broadcast %broadcast_in_dim3A_274 : i32 to vector<16xi32>
      %select_n3A_276 = arith.select %eq3A_273, %broadcast_in_dim3A_275, %broadcast_in_dim3A_3 : vector<16xi1>, vector<16xi32>
      %eq3A_277 = arith.cmpf oeq, %get3A_260, %max3A_272 : vector<16xf32>
      %broadcast_in_dim3A_278 = arith.constant 6 : i32
      %broadcast_in_dim3A_279 = vector.broadcast %broadcast_in_dim3A_278 : i32 to vector<16xi32>
      %select_n3A_280 = arith.select %eq3A_277, %broadcast_in_dim3A_279, %select_n3A_276 : vector<16xi1>, vector<16xi32>
      %eq3A_281 = arith.cmpf oeq, %get3A_255, %max3A_272 : vector<16xf32>
      %broadcast_in_dim3A_282 = arith.constant 5 : i32
      %broadcast_in_dim3A_283 = vector.broadcast %broadcast_in_dim3A_282 : i32 to vector<16xi32>
      %select_n3A_284 = arith.select %eq3A_281, %broadcast_in_dim3A_283, %select_n3A_280 : vector<16xi1>, vector<16xi32>
      %eq3A_285 = arith.cmpf oeq, %get3A_250, %max3A_272 : vector<16xf32>
      %broadcast_in_dim3A_286 = arith.constant 4 : i32
      %broadcast_in_dim3A_287 = vector.broadcast %broadcast_in_dim3A_286 : i32 to vector<16xi32>
      %select_n3A_288 = arith.select %eq3A_285, %broadcast_in_dim3A_287, %select_n3A_284 : vector<16xi1>, vector<16xi32>
      %eq3A_289 = arith.cmpf oeq, %get3A_245, %max3A_272 : vector<16xf32>
      %broadcast_in_dim3A_290 = arith.constant 3 : i32
      %broadcast_in_dim3A_291 = vector.broadcast %broadcast_in_dim3A_290 : i32 to vector<16xi32>
      %select_n3A_292 = arith.select %eq3A_289, %broadcast_in_dim3A_291, %select_n3A_288 : vector<16xi1>, vector<16xi32>
      %eq3A_293 = arith.cmpf oeq, %get3A_240, %max3A_272 : vector<16xf32>
      %broadcast_in_dim3A_294 = arith.constant 2 : i32
      %broadcast_in_dim3A_295 = vector.broadcast %broadcast_in_dim3A_294 : i32 to vector<16xi32>
      %select_n3A_296 = arith.select %eq3A_293, %broadcast_in_dim3A_295, %select_n3A_292 : vector<16xi1>, vector<16xi32>
      %eq3A_297 = arith.cmpf oeq, %get3A_235, %max3A_272 : vector<16xf32>
      %broadcast_in_dim3A_298 = arith.constant 1 : i32
      %broadcast_in_dim3A_299 = vector.broadcast %broadcast_in_dim3A_298 : i32 to vector<16xi32>
      %select_n3A_300 = arith.select %eq3A_297, %broadcast_in_dim3A_299, %select_n3A_296 : vector<16xi1>, vector<16xi32>
      %eq3A_301 = arith.cmpf oeq, %get3A_230, %max3A_272 : vector<16xf32>
      %broadcast_in_dim3A_302 = arith.constant 0 : i32
      %broadcast_in_dim3A_303 = vector.broadcast %broadcast_in_dim3A_302 : i32 to vector<16xi32>
      %select_n3A_304 = arith.select %eq3A_301, %broadcast_in_dim3A_303, %select_n3A_300 : vector<16xi1>, vector<16xi32>
      %eq3A_305 = arith.constant 0 : i32
      %eq3A_306 = vector.broadcast %eq3A_305 : i32 to vector<16xi32>
      %eq3A_307 = arith.cmpi eq, %select_n3A_304, %eq3A_306 : vector<16xi32>
      %jit3A_308 = arith.constant 0xFF800000 : f32
      %broadcast_in_dim3A_309 = vector.broadcast %jit3A_308 : f32 to vector<16xf32>
      %select_n3A_310 = arith.select %eq3A_307, %broadcast_in_dim3A_309, %get3A_230 : vector<16xi1>, vector<16xf32>
      %eq3A_311 = arith.constant 1 : i32
      %eq3A_312 = vector.broadcast %eq3A_311 : i32 to vector<16xi32>
      %eq3A_313 = arith.cmpi eq, %select_n3A_304, %eq3A_312 : vector<16xi32>
      %jit3A_314 = arith.constant 0xFF800000 : f32
      %broadcast_in_dim3A_315 = vector.broadcast %jit3A_314 : f32 to vector<16xf32>
      %select_n3A_316 = arith.select %eq3A_313, %broadcast_in_dim3A_315, %get3A_235 : vector<16xi1>, vector<16xf32>
      %eq3A_317 = arith.constant 2 : i32
      %eq3A_318 = vector.broadcast %eq3A_317 : i32 to vector<16xi32>
      %eq3A_319 = arith.cmpi eq, %select_n3A_304, %eq3A_318 : vector<16xi32>
      %jit3A_320 = arith.constant 0xFF800000 : f32
      %broadcast_in_dim3A_321 = vector.broadcast %jit3A_320 : f32 to vector<16xf32>
      %select_n3A_322 = arith.select %eq3A_319, %broadcast_in_dim3A_321, %get3A_240 : vector<16xi1>, vector<16xf32>
      %eq3A_323 = arith.constant 3 : i32
      %eq3A_324 = vector.broadcast %eq3A_323 : i32 to vector<16xi32>
      %eq3A_325 = arith.cmpi eq, %select_n3A_304, %eq3A_324 : vector<16xi32>
      %jit3A_326 = arith.constant 0xFF800000 : f32
      %broadcast_in_dim3A_327 = vector.broadcast %jit3A_326 : f32 to vector<16xf32>
      %select_n3A_328 = arith.select %eq3A_325, %broadcast_in_dim3A_327, %get3A_245 : vector<16xi1>, vector<16xf32>
      %eq3A_329 = arith.constant 4 : i32
      %eq3A_330 = vector.broadcast %eq3A_329 : i32 to vector<16xi32>
      %eq3A_331 = arith.cmpi eq, %select_n3A_304, %eq3A_330 : vector<16xi32>
      %jit3A_332 = arith.constant 0xFF800000 : f32
      %broadcast_in_dim3A_333 = vector.broadcast %jit3A_332 : f32 to vector<16xf32>
      %select_n3A_334 = arith.select %eq3A_331, %broadcast_in_dim3A_333, %get3A_250 : vector<16xi1>, vector<16xf32>
      %eq3A_335 = arith.constant 5 : i32
      %eq3A_336 = vector.broadcast %eq3A_335 : i32 to vector<16xi32>
      %eq3A_337 = arith.cmpi eq, %select_n3A_304, %eq3A_336 : vector<16xi32>
      %jit3A_338 = arith.constant 0xFF800000 : f32
      %broadcast_in_dim3A_339 = vector.broadcast %jit3A_338 : f32 to vector<16xf32>
      %select_n3A_340 = arith.select %eq3A_337, %broadcast_in_dim3A_339, %get3A_255 : vector<16xi1>, vector<16xf32>
      %eq3A_341 = arith.constant 6 : i32
      %eq3A_342 = vector.broadcast %eq3A_341 : i32 to vector<16xi32>
      %eq3A_343 = arith.cmpi eq, %select_n3A_304, %eq3A_342 : vector<16xi32>
      %jit3A_344 = arith.constant 0xFF800000 : f32
      %broadcast_in_dim3A_345 = vector.broadcast %jit3A_344 : f32 to vector<16xf32>
      %select_n3A_346 = arith.select %eq3A_343, %broadcast_in_dim3A_345, %get3A_260 : vector<16xi1>, vector<16xf32>
      %eq3A_347 = arith.constant 7 : i32
      %eq3A_348 = vector.broadcast %eq3A_347 : i32 to vector<16xi32>
      %eq3A_349 = arith.cmpi eq, %select_n3A_304, %eq3A_348 : vector<16xi32>
      %jit3A_350 = arith.constant 0xFF800000 : f32
      %broadcast_in_dim3A_351 = vector.broadcast %jit3A_350 : f32 to vector<16xf32>
      %select_n3A_352 = arith.select %eq3A_349, %broadcast_in_dim3A_351, %get3A_265 : vector<16xi1>, vector<16xf32>
      %max3A_353 = arith.maximumf %select_n3A_310, %select_n3A_316 : vector<16xf32>
      %max3A_354 = arith.maximumf %max3A_353, %select_n3A_322 : vector<16xf32>
      %max3A_355 = arith.maximumf %max3A_354, %select_n3A_328 : vector<16xf32>
      %max3A_356 = arith.maximumf %max3A_355, %select_n3A_334 : vector<16xf32>
      %max3A_357 = arith.maximumf %max3A_356, %select_n3A_340 : vector<16xf32>
      %max3A_358 = arith.maximumf %max3A_357, %select_n3A_346 : vector<16xf32>
      %max3A_359 = arith.maximumf %max3A_358, %select_n3A_352 : vector<16xf32>
      %eq3A_360 = arith.cmpf oeq, %select_n3A_352, %max3A_359 : vector<16xf32>
      %broadcast_in_dim3A_361 = arith.constant 7 : i32
      %broadcast_in_dim3A_362 = vector.broadcast %broadcast_in_dim3A_361 : i32 to vector<16xi32>
      %select_n3A_363 = arith.select %eq3A_360, %broadcast_in_dim3A_362, %broadcast_in_dim3A_3 : vector<16xi1>, vector<16xi32>
      %eq3A_364 = arith.cmpf oeq, %select_n3A_346, %max3A_359 : vector<16xf32>
      %broadcast_in_dim3A_365 = arith.constant 6 : i32
      %broadcast_in_dim3A_366 = vector.broadcast %broadcast_in_dim3A_365 : i32 to vector<16xi32>
      %select_n3A_367 = arith.select %eq3A_364, %broadcast_in_dim3A_366, %select_n3A_363 : vector<16xi1>, vector<16xi32>
      %eq3A_368 = arith.cmpf oeq, %select_n3A_340, %max3A_359 : vector<16xf32>
      %broadcast_in_dim3A_369 = arith.constant 5 : i32
      %broadcast_in_dim3A_370 = vector.broadcast %broadcast_in_dim3A_369 : i32 to vector<16xi32>
      %select_n3A_371 = arith.select %eq3A_368, %broadcast_in_dim3A_370, %select_n3A_367 : vector<16xi1>, vector<16xi32>
      %eq3A_372 = arith.cmpf oeq, %select_n3A_334, %max3A_359 : vector<16xf32>
      %broadcast_in_dim3A_373 = arith.constant 4 : i32
      %broadcast_in_dim3A_374 = vector.broadcast %broadcast_in_dim3A_373 : i32 to vector<16xi32>
      %select_n3A_375 = arith.select %eq3A_372, %broadcast_in_dim3A_374, %select_n3A_371 : vector<16xi1>, vector<16xi32>
      %eq3A_376 = arith.cmpf oeq, %select_n3A_328, %max3A_359 : vector<16xf32>
      %broadcast_in_dim3A_377 = arith.constant 3 : i32
      %broadcast_in_dim3A_378 = vector.broadcast %broadcast_in_dim3A_377 : i32 to vector<16xi32>
      %select_n3A_379 = arith.select %eq3A_376, %broadcast_in_dim3A_378, %select_n3A_375 : vector<16xi1>, vector<16xi32>
      %eq3A_380 = arith.cmpf oeq, %select_n3A_322, %max3A_359 : vector<16xf32>
      %broadcast_in_dim3A_381 = arith.constant 2 : i32
      %broadcast_in_dim3A_382 = vector.broadcast %broadcast_in_dim3A_381 : i32 to vector<16xi32>
      %select_n3A_383 = arith.select %eq3A_380, %broadcast_in_dim3A_382, %select_n3A_379 : vector<16xi1>, vector<16xi32>
      %eq3A_384 = arith.cmpf oeq, %select_n3A_316, %max3A_359 : vector<16xf32>
      %broadcast_in_dim3A_385 = arith.constant 1 : i32
      %broadcast_in_dim3A_386 = vector.broadcast %broadcast_in_dim3A_385 : i32 to vector<16xi32>
      %select_n3A_387 = arith.select %eq3A_384, %broadcast_in_dim3A_386, %select_n3A_383 : vector<16xi1>, vector<16xi32>
      %eq3A_388 = arith.cmpf oeq, %select_n3A_310, %max3A_359 : vector<16xf32>
      %broadcast_in_dim3A_389 = arith.constant 0 : i32
      %broadcast_in_dim3A_390 = vector.broadcast %broadcast_in_dim3A_389 : i32 to vector<16xi32>
      %select_n3A_391 = arith.select %eq3A_388, %broadcast_in_dim3A_390, %select_n3A_387 : vector<16xi1>, vector<16xi32>
      %sub3A_392 = arith.subf %max3A_359, %max3A_272 : vector<16xf32>
      %exp3A_393 = math.exp %sub3A_392 : vector<16xf32>
      %add3A_394 = arith.constant 1.000000e+00 : f32
      %add3A_395 = vector.broadcast %add3A_394 : f32 to vector<16xf32>
      %add3A_396 = arith.addf %add3A_395, %exp3A_393 : vector<16xf32>
      %div3A_397 = arith.constant 1.000000e+00 : f32
      %div3A_398 = vector.broadcast %div3A_397 : f32 to vector<16xf32>
      %div3A_399 = arith.divf %div3A_398, %add3A_396 : vector<16xf32>
      %mul3A_400 = arith.mulf %exp3A_393, %div3A_399 : vector<16xf32>
      %swap3A_401 = arith.constant 0 : i32
      %swap3A_402 = arith.index_cast %swap3A_401 : i32 to index
      %swap3A_403 = arith.index_cast %add3A_225 : i32 to index
      %swap3A_404 = tpu.vector_load %arg6[%swap3A_402, %swap3A_403] {strides = array<i32>} : memref<2x1024xf32, #tpu.memory_space<vmem>>, vector<1x16xf32>,
      %swap3A_405 = vector.shape_cast %swap3A_404 : vector<1x16xf32> to vector<16xf32>
      %swap3A_406 = vector.shape_cast %div3A_399 : vector<16xf32> to vector<1x16xf32>
      tpu.vector_store %arg6[%swap3A_402, %swap3A_403], %swap3A_406 {strides = array<i32>} : memref<2x1024xf32, #tpu.memory_space<vmem>>, vector<1x16xf32>,
      %swap3A_407 = arith.constant 1 : i32
      %swap3A_408 = arith.index_cast %swap3A_407 : i32 to index
      %swap3A_409 = arith.index_cast %add3A_225 : i32 to index
      %swap3A_410 = tpu.vector_load %arg6[%swap3A_408, %swap3A_409] {strides = array<i32>} : memref<2x1024xf32, #tpu.memory_space<vmem>>, vector<1x16xf32>,
      %swap3A_411 = vector.shape_cast %swap3A_410 : vector<1x16xf32> to vector<16xf32>
      %swap3A_412 = vector.shape_cast %mul3A_400 : vector<16xf32> to vector<1x16xf32>
      tpu.vector_store %arg6[%swap3A_408, %swap3A_409], %swap3A_412 {strides = array<i32>} : memref<2x1024xf32, #tpu.memory_space<vmem>>, vector<1x16xf32>,
      %swap3A_413 = arith.constant 0 : i32
      %swap3A_414 = arith.index_cast %swap3A_413 : i32 to index
      %swap3A_415 = arith.index_cast %add3A_225 : i32 to index
      %swap3A_416 = tpu.vector_load %arg7[%swap3A_414, %swap3A_415] {strides = array<i32>} : memref<2x1024xi32, #tpu.memory_space<vmem>>, vector<1x16xi32>,
      %swap3A_417 = vector.shape_cast %swap3A_416 : vector<1x16xi32> to vector<16xi32>
      %swap3A_418 = vector.shape_cast %select_n3A_304 : vector<16xi32> to vector<1x16xi32>
      tpu.vector_store %arg7[%swap3A_414, %swap3A_415], %swap3A_418 {strides = array<i32>} : memref<2x1024xi32, #tpu.memory_space<vmem>>, vector<1x16xi32>,
      %swap3A_419 = arith.constant 1 : i32
      %swap3A_420 = arith.index_cast %swap3A_419 : i32 to index
      %swap3A_421 = arith.index_cast %add3A_225 : i32 to index
      %swap3A_422 = tpu.vector_load %arg7[%swap3A_420, %swap3A_421] {strides = array<i32>} : memref<2x1024xi32, #tpu.memory_space<vmem>>, vector<1x16xi32>,
      %swap3A_423 = vector.shape_cast %swap3A_422 : vector<1x16xi32> to vector<16xi32>
      %swap3A_424 = vector.shape_cast %select_n3A_391 : vector<16xi32> to vector<1x16xi32>
      tpu.vector_store %arg7[%swap3A_420, %swap3A_421], %swap3A_424 {strides = array<i32>} : memref<2x1024xi32, #tpu.memory_space<vmem>>, vector<1x16xi32>,
      %add3A_425 = arith.constant 32 : i32
      %add3A_426 = arith.addi %mul3A_31, %add3A_425 : i32
      %get3A_427 = arith.constant 0 : i32
      %get3A_428 = arith.index_cast %get3A_427 : i32 to index
      %get3A_429 = arith.index_cast %add3A_426 : i32 to index
      %get3A_430 = tpu.vector_load %arg5[%get3A_428, %get3A_429] {strides = array<i32>} : memref<8x1024xf32, #tpu.memory_space<vmem>>, vector<1x16xf32>,
      %get3A_431 = vector.shape_cast %get3A_430 : vector<1x16xf32> to vector<16xf32>
      %get3A_432 = arith.constant 1 : i32
      %get3A_433 = arith.index_cast %get3A_432 : i32 to index
      %get3A_434 = arith.index_cast %add3A_426 : i32 to index
      %get3A_435 = tpu.vector_load %arg5[%get3A_433, %get3A_434] {strides = array<i32>} : memref<8x1024xf32, #tpu.memory_space<vmem>>, vector<1x16xf32>,
      %get3A_436 = vector.shape_cast %get3A_435 : vector<1x16xf32> to vector<16xf32>
      %get3A_437 = arith.constant 2 : i32
      %get3A_438 = arith.index_cast %get3A_437 : i32 to index
      %get3A_439 = arith.index_cast %add3A_426 : i32 to index
      %get3A_440 = tpu.vector_load %arg5[%get3A_438, %get3A_439] {strides = array<i32>} : memref<8x1024xf32, #tpu.memory_space<vmem>>, vector<1x16xf32>,
      %get3A_441 = vector.shape_cast %get3A_440 : vector<1x16xf32> to vector<16xf32>
      %get3A_442 = arith.constant 3 : i32
      %get3A_443 = arith.index_cast %get3A_442 : i32 to index
      %get3A_444 = arith.index_cast %add3A_426 : i32 to index
      %get3A_445 = tpu.vector_load %arg5[%get3A_443, %get3A_444] {strides = array<i32>} : memref<8x1024xf32, #tpu.memory_space<vmem>>, vector<1x16xf32>,
      %get3A_446 = vector.shape_cast %get3A_445 : vector<1x16xf32> to vector<16xf32>
      %get3A_447 = arith.constant 4 : i32
      %get3A_448 = arith.index_cast %get3A_447 : i32 to index
      %get3A_449 = arith.index_cast %add3A_426 : i32 to index
      %get3A_450 = tpu.vector_load %arg5[%get3A_448, %get3A_449] {strides = array<i32>} : memref<8x1024xf32, #tpu.memory_space<vmem>>, vector<1x16xf32>,
      %get3A_451 = vector.shape_cast %get3A_450 : vector<1x16xf32> to vector<16xf32>
      %get3A_452 = arith.constant 5 : i32
      %get3A_453 = arith.index_cast %get3A_452 : i32 to index
      %get3A_454 = arith.index_cast %add3A_426 : i32 to index
      %get3A_455 = tpu.vector_load %arg5[%get3A_453, %get3A_454] {strides = array<i32>} : memref<8x1024xf32, #tpu.memory_space<vmem>>, vector<1x16xf32>,
      %get3A_456 = vector.shape_cast %get3A_455 : vector<1x16xf32> to vector<16xf32>
      %get3A_457 = arith.constant 6 : i32
      %get3A_458 = arith.index_cast %get3A_457 : i32 to index
      %get3A_459 = arith.index_cast %add3A_426 : i32 to index
      %get3A_460 = tpu.vector_load %arg5[%get3A_458, %get3A_459] {strides = array<i32>} : memref<8x1024xf32, #tpu.memory_space<vmem>>, vector<1x16xf32>,
      %get3A_461 = vector.shape_cast %get3A_460 : vector<1x16xf32> to vector<16xf32>
      %get3A_462 = arith.constant 7 : i32
      %get3A_463 = arith.index_cast %get3A_462 : i32 to index
      %get3A_464 = arith.index_cast %add3A_426 : i32 to index
      %get3A_465 = tpu.vector_load %arg5[%get3A_463, %get3A_464] {strides = array<i32>} : memref<8x1024xf32, #tpu.memory_space<vmem>>, vector<1x16xf32>,
      %get3A_466 = vector.shape_cast %get3A_465 : vector<1x16xf32> to vector<16xf32>
      %max3A_467 = arith.maximumf %get3A_431, %get3A_436 : vector<16xf32>
      %max3A_468 = arith.maximumf %max3A_467, %get3A_441 : vector<16xf32>
      %max3A_469 = arith.maximumf %max3A_468, %get3A_446 : vector<16xf32>
      %max3A_470 = arith.maximumf %max3A_469, %get3A_451 : vector<16xf32>
      %max3A_471 = arith.maximumf %max3A_470, %get3A_456 : vector<16xf32>
      %max3A_472 = arith.maximumf %max3A_471, %get3A_461 : vector<16xf32>
      %max3A_473 = arith.maximumf %max3A_472, %get3A_466 : vector<16xf32>
      %eq3A_474 = arith.cmpf oeq, %get3A_466, %max3A_473 : vector<16xf32>
      %broadcast_in_dim3A_475 = arith.constant 7 : i32
      %broadcast_in_dim3A_476 = vector.broadcast %broadcast_in_dim3A_475 : i32 to vector<16xi32>
      %select_n3A_477 = arith.select %eq3A_474, %broadcast_in_dim3A_476, %broadcast_in_dim3A_3 : vector<16xi1>, vector<16xi32>
      %eq3A_478 = arith.cmpf oeq, %get3A_461, %max3A_473 : vector<16xf32>
      %broadcast_in_dim3A_479 = arith.constant 6 : i32
      %broadcast_in_dim3A_480 = vector.broadcast %broadcast_in_dim3A_479 : i32 to vector<16xi32>
      %select_n3A_481 = arith.select %eq3A_478, %broadcast_in_dim3A_480, %select_n3A_477 : vector<16xi1>, vector<16xi32>
      %eq3A_482 = arith.cmpf oeq, %get3A_456, %max3A_473 : vector<16xf32>
      %broadcast_in_dim3A_483 = arith.constant 5 : i32
      %broadcast_in_dim3A_484 = vector.broadcast %broadcast_in_dim3A_483 : i32 to vector<16xi32>
      %select_n3A_485 = arith.select %eq3A_482, %broadcast_in_dim3A_484, %select_n3A_481 : vector<16xi1>, vector<16xi32>
      %eq3A_486 = arith.cmpf oeq, %get3A_451, %max3A_473 : vector<16xf32>
      %broadcast_in_dim3A_487 = arith.constant 4 : i32
      %broadcast_in_dim3A_488 = vector.broadcast %broadcast_in_dim3A_487 : i32 to vector<16xi32>
      %select_n3A_489 = arith.select %eq3A_486, %broadcast_in_dim3A_488, %select_n3A_485 : vector<16xi1>, vector<16xi32>
      %eq3A_490 = arith.cmpf oeq, %get3A_446, %max3A_473 : vector<16xf32>
      %broadcast_in_dim3A_491 = arith.constant 3 : i32
      %broadcast_in_dim3A_492 = vector.broadcast %broadcast_in_dim3A_491 : i32 to vector<16xi32>
      %select_n3A_493 = arith.select %eq3A_490, %broadcast_in_dim3A_492, %select_n3A_489 : vector<16xi1>, vector<16xi32>
      %eq3A_494 = arith.cmpf oeq, %get3A_441, %max3A_473 : vector<16xf32>
      %broadcast_in_dim3A_495 = arith.constant 2 : i32
      %broadcast_in_dim3A_496 = vector.broadcast %broadcast_in_dim3A_495 : i32 to vector<16xi32>
      %select_n3A_497 = arith.select %eq3A_494, %broadcast_in_dim3A_496, %select_n3A_493 : vector<16xi1>, vector<16xi32>
      %eq3A_498 = arith.cmpf oeq, %get3A_436, %max3A_473 : vector<16xf32>
      %broadcast_in_dim3A_499 = arith.constant 1 : i32
      %broadcast_in_dim3A_500 = vector.broadcast %broadcast_in_dim3A_499 : i32 to vector<16xi32>
      %select_n3A_501 = arith.select %eq3A_498, %broadcast_in_dim3A_500, %select_n3A_497 : vector<16xi1>, vector<16xi32>
      %eq3A_502 = arith.cmpf oeq, %get3A_431, %max3A_473 : vector<16xf32>
      %broadcast_in_dim3A_503 = arith.constant 0 : i32
      %broadcast_in_dim3A_504 = vector.broadcast %broadcast_in_dim3A_503 : i32 to vector<16xi32>
      %select_n3A_505 = arith.select %eq3A_502, %broadcast_in_dim3A_504, %select_n3A_501 : vector<16xi1>, vector<16xi32>
      %eq3A_506 = arith.constant 0 : i32
      %eq3A_507 = vector.broadcast %eq3A_506 : i32 to vector<16xi32>
      %eq3A_508 = arith.cmpi eq, %select_n3A_505, %eq3A_507 : vector<16xi32>
      %jit3A_509 = arith.constant 0xFF800000 : f32
      %broadcast_in_dim3A_510 = vector.broadcast %jit3A_509 : f32 to vector<16xf32>
      %select_n3A_511 = arith.select %eq3A_508, %broadcast_in_dim3A_510, %get3A_431 : vector<16xi1>, vector<16xf32>
      %eq3A_512 = arith.constant 1 : i32
      %eq3A_513 = vector.broadcast %eq3A_512 : i32 to vector<16xi32>
      %eq3A_514 = arith.cmpi eq, %select_n3A_505, %eq3A_513 : vector<16xi32>
      %jit3A_515 = arith.constant 0xFF800000 : f32
      %broadcast_in_dim3A_516 = vector.broadcast %jit3A_515 : f32 to vector<16xf32>
      %select_n3A_517 = arith.select %eq3A_514, %broadcast_in_dim3A_516, %get3A_436 : vector<16xi1>, vector<16xf32>
      %eq3A_518 = arith.constant 2 : i32
      %eq3A_519 = vector.broadcast %eq3A_518 : i32 to vector<16xi32>
      %eq3A_520 = arith.cmpi eq, %select_n3A_505, %eq3A_519 : vector<16xi32>
      %jit3A_521 = arith.constant 0xFF800000 : f32
      %broadcast_in_dim3A_522 = vector.broadcast %jit3A_521 : f32 to vector<16xf32>
      %select_n3A_523 = arith.select %eq3A_520, %broadcast_in_dim3A_522, %get3A_441 : vector<16xi1>, vector<16xf32>
      %eq3A_524 = arith.constant 3 : i32
      %eq3A_525 = vector.broadcast %eq3A_524 : i32 to vector<16xi32>
      %eq3A_526 = arith.cmpi eq, %select_n3A_505, %eq3A_525 : vector<16xi32>
      %jit3A_527 = arith.constant 0xFF800000 : f32
      %broadcast_in_dim3A_528 = vector.broadcast %jit3A_527 : f32 to vector<16xf32>
      %select_n3A_529 = arith.select %eq3A_526, %broadcast_in_dim3A_528, %get3A_446 : vector<16xi1>, vector<16xf32>
      %eq3A_530 = arith.constant 4 : i32
      %eq3A_531 = vector.broadcast %eq3A_530 : i32 to vector<16xi32>
      %eq3A_532 = arith.cmpi eq, %select_n3A_505, %eq3A_531 : vector<16xi32>
      %jit3A_533 = arith.constant 0xFF800000 : f32
      %broadcast_in_dim3A_534 = vector.broadcast %jit3A_533 : f32 to vector<16xf32>
      %select_n3A_535 = arith.select %eq3A_532, %broadcast_in_dim3A_534, %get3A_451 : vector<16xi1>, vector<16xf32>
      %eq3A_536 = arith.constant 5 : i32
      %eq3A_537 = vector.broadcast %eq3A_536 : i32 to vector<16xi32>
      %eq3A_538 = arith.cmpi eq, %select_n3A_505, %eq3A_537 : vector<16xi32>
      %jit3A_539 = arith.constant 0xFF800000 : f32
      %broadcast_in_dim3A_540 = vector.broadcast %jit3A_539 : f32 to vector<16xf32>
      %select_n3A_541 = arith.select %eq3A_538, %broadcast_in_dim3A_540, %get3A_456 : vector<16xi1>, vector<16xf32>
      %eq3A_542 = arith.constant 6 : i32
      %eq3A_543 = vector.broadcast %eq3A_542 : i32 to vector<16xi32>
      %eq3A_544 = arith.cmpi eq, %select_n3A_505, %eq3A_543 : vector<16xi32>
      %jit3A_545 = arith.constant 0xFF800000 : f32
      %broadcast_in_dim3A_546 = vector.broadcast %jit3A_545 : f32 to vector<16xf32>
      %select_n3A_547 = arith.select %eq3A_544, %broadcast_in_dim3A_546, %get3A_461 : vector<16xi1>, vector<16xf32>
      %eq3A_548 = arith.constant 7 : i32
      %eq3A_549 = vector.broadcast %eq3A_548 : i32 to vector<16xi32>
      %eq3A_550 = arith.cmpi eq, %select_n3A_505, %eq3A_549 : vector<16xi32>
      %jit3A_551 = arith.constant 0xFF800000 : f32
      %broadcast_in_dim3A_552 = vector.broadcast %jit3A_551 : f32 to vector<16xf32>
      %select_n3A_553 = arith.select %eq3A_550, %broadcast_in_dim3A_552, %get3A_466 : vector<16xi1>, vector<16xf32>
      %max3A_554 = arith.maximumf %select_n3A_511, %select_n3A_517 : vector<16xf32>
      %max3A_555 = arith.maximumf %max3A_554, %select_n3A_523 : vector<16xf32>
      %max3A_556 = arith.maximumf %max3A_555, %select_n3A_529 : vector<16xf32>
      %max3A_557 = arith.maximumf %max3A_556, %select_n3A_535 : vector<16xf32>
      %max3A_558 = arith.maximumf %max3A_557, %select_n3A_541 : vector<16xf32>
      %max3A_559 = arith.maximumf %max3A_558, %select_n3A_547 : vector<16xf32>
      %max3A_560 = arith.maximumf %max3A_559, %select_n3A_553 : vector<16xf32>
      %eq3A_561 = arith.cmpf oeq, %select_n3A_553, %max3A_560 : vector<16xf32>
      %broadcast_in_dim3A_562 = arith.constant 7 : i32
      %broadcast_in_dim3A_563 = vector.broadcast %broadcast_in_dim3A_562 : i32 to vector<16xi32>
      %select_n3A_564 = arith.select %eq3A_561, %broadcast_in_dim3A_563, %broadcast_in_dim3A_3 : vector<16xi1>, vector<16xi32>
      %eq3A_565 = arith.cmpf oeq, %select_n3A_547, %max3A_560 : vector<16xf32>
      %broadcast_in_dim3A_566 = arith.constant 6 : i32
      %broadcast_in_dim3A_567 = vector.broadcast %broadcast_in_dim3A_566 : i32 to vector<16xi32>
      %select_n3A_568 = arith.select %eq3A_565, %broadcast_in_dim3A_567, %select_n3A_564 : vector<16xi1>, vector<16xi32>
      %eq3A_569 = arith.cmpf oeq, %select_n3A_541, %max3A_560 : vector<16xf32>
      %broadcast_in_dim3A_570 = arith.constant 5 : i32
      %broadcast_in_dim3A_571 = vector.broadcast %broadcast_in_dim3A_570 : i32 to vector<16xi32>
      %select_n3A_572 = arith.select %eq3A_569, %broadcast_in_dim3A_571, %select_n3A_568 : vector<16xi1>, vector<16xi32>
      %eq3A_573 = arith.cmpf oeq, %select_n3A_535, %max3A_560 : vector<16xf32>
      %broadcast_in_dim3A_574 = arith.constant 4 : i32
      %broadcast_in_dim3A_575 = vector.broadcast %broadcast_in_dim3A_574 : i32 to vector<16xi32>
      %select_n3A_576 = arith.select %eq3A_573, %broadcast_in_dim3A_575, %select_n3A_572 : vector<16xi1>, vector<16xi32>
      %eq3A_577 = arith.cmpf oeq, %select_n3A_529, %max3A_560 : vector<16xf32>
      %broadcast_in_dim3A_578 = arith.constant 3 : i32
      %broadcast_in_dim3A_579 = vector.broadcast %broadcast_in_dim3A_578 : i32 to vector<16xi32>
      %select_n3A_580 = arith.select %eq3A_577, %broadcast_in_dim3A_579, %select_n3A_576 : vector<16xi1>, vector<16xi32>
      %eq3A_581 = arith.cmpf oeq, %select_n3A_523, %max3A_560 : vector<16xf32>
      %broadcast_in_dim3A_582 = arith.constant 2 : i32
      %broadcast_in_dim3A_583 = vector.broadcast %broadcast_in_dim3A_582 : i32 to vector<16xi32>
      %select_n3A_584 = arith.select %eq3A_581, %broadcast_in_dim3A_583, %select_n3A_580 : vector<16xi1>, vector<16xi32>
      %eq3A_585 = arith.cmpf oeq, %select_n3A_517, %max3A_560 : vector<16xf32>
      %broadcast_in_dim3A_586 = arith.constant 1 : i32
      %broadcast_in_dim3A_587 = vector.broadcast %broadcast_in_dim3A_586 : i32 to vector<16xi32>
      %select_n3A_588 = arith.select %eq3A_585, %broadcast_in_dim3A_587, %select_n3A_584 : vector<16xi1>, vector<16xi32>
      %eq3A_589 = arith.cmpf oeq, %select_n3A_511, %max3A_560 : vector<16xf32>
      %broadcast_in_dim3A_590 = arith.constant 0 : i32
      %broadcast_in_dim3A_591 = vector.broadcast %broadcast_in_dim3A_590 : i32 to vector<16xi32>
      %select_n3A_592 = arith.select %eq3A_589, %broadcast_in_dim3A_591, %select_n3A_588 : vector<16xi1>, vector<16xi32>
      %sub3A_593 = arith.subf %max3A_560, %max3A_473 : vector<16xf32>
      %exp3A_594 = math.exp %sub3A_593 : vector<16xf32>
      %add3A_595 = arith.constant 1.000000e+00 : f32
      %add3A_596 = vector.broadcast %add3A_595 : f32 to vector<16xf32>
      %add3A_597 = arith.addf %add3A_596, %exp3A_594 : vector<16xf32>
      %div3A_598 = arith.constant 1.000000e+00 : f32
      %div3A_599 = vector.broadcast %div3A_598 : f32 to vector<16xf32>
      %div3A_600 = arith.divf %div3A_599, %add3A_597 : vector<16xf32>
      %mul3A_601 = arith.mulf %exp3A_594, %div3A_600 : vector<16xf32>
      %swap3A_602 = arith.constant 0 : i32
      %swap3A_603 = arith.index_cast %swap3A_602 : i32 to index
      %swap3A_604 = arith.index_cast %add3A_426 : i32 to index
      %swap3A_605 = tpu.vector_load %arg6[%swap3A_603, %swap3A_604] {strides = array<i32>} : memref<2x1024xf32, #tpu.memory_space<vmem>>, vector<1x16xf32>,
      %swap3A_606 = vector.shape_cast %swap3A_605 : vector<1x16xf32> to vector<16xf32>
      %swap3A_607 = vector.shape_cast %div3A_600 : vector<16xf32> to vector<1x16xf32>
      tpu.vector_store %arg6[%swap3A_603, %swap3A_604], %swap3A_607 {strides = array<i32>} : memref<2x1024xf32, #tpu.memory_space<vmem>>, vector<1x16xf32>,
      %swap3A_608 = arith.constant 1 : i32
      %swap3A_609 = arith.index_cast %swap3A_608 : i32 to index
      %swap3A_610 = arith.index_cast %add3A_426 : i32 to index
      %swap3A_611 = tpu.vector_load %arg6[%swap3A_609, %swap3A_610] {strides = array<i32>} : memref<2x1024xf32, #tpu.memory_space<vmem>>, vector<1x16xf32>,
      %swap3A_612 = vector.shape_cast %swap3A_611 : vector<1x16xf32> to vector<16xf32>
      %swap3A_613 = vector.shape_cast %mul3A_601 : vector<16xf32> to vector<1x16xf32>
      tpu.vector_store %arg6[%swap3A_609, %swap3A_610], %swap3A_613 {strides = array<i32>} : memref<2x1024xf32, #tpu.memory_space<vmem>>, vector<1x16xf32>,
      %swap3A_614 = arith.constant 0 : i32
      %swap3A_615 = arith.index_cast %swap3A_614 : i32 to index
      %swap3A_616 = arith.index_cast %add3A_426 : i32 to index
      %swap3A_617 = tpu.vector_load %arg7[%swap3A_615, %swap3A_616] {strides = array<i32>} : memref<2x1024xi32, #tpu.memory_space<vmem>>, vector<1x16xi32>,
      %swap3A_618 = vector.shape_cast %swap3A_617 : vector<1x16xi32> to vector<16xi32>
      %swap3A_619 = vector.shape_cast %select_n3A_505 : vector<16xi32> to vector<1x16xi32>
      tpu.vector_store %arg7[%swap3A_615, %swap3A_616], %swap3A_619 {strides = array<i32>} : memref<2x1024xi32, #tpu.memory_space<vmem>>, vector<1x16xi32>,
      %swap3A_620 = arith.constant 1 : i32
      %swap3A_621 = arith.index_cast %swap3A_620 : i32 to index
      %swap3A_622 = arith.index_cast %add3A_426 : i32 to index
      %swap3A_623 = tpu.vector_load %arg7[%swap3A_621, %swap3A_622] {strides = array<i32>} : memref<2x1024xi32, #tpu.memory_space<vmem>>, vector<1x16xi32>,
      %swap3A_624 = vector.shape_cast %swap3A_623 : vector<1x16xi32> to vector<16xi32>
      %swap3A_625 = vector.shape_cast %select_n3A_592 : vector<16xi32> to vector<1x16xi32>
      tpu.vector_store %arg7[%swap3A_621, %swap3A_622], %swap3A_625 {strides = array<i32>} : memref<2x1024xi32, #tpu.memory_space<vmem>>, vector<1x16xi32>,
      %add3A_626 = arith.constant 48 : i32
      %add3A_627 = arith.addi %mul3A_31, %add3A_626 : i32
      %get3A_628 = arith.constant 0 : i32
      %get3A_629 = arith.index_cast %get3A_628 : i32 to index
      %get3A_630 = arith.index_cast %add3A_627 : i32 to index
      %get3A_631 = tpu.vector_load %arg5[%get3A_629, %get3A_630] {strides = array<i32>} : memref<8x1024xf32, #tpu.memory_space<vmem>>, vector<1x16xf32>,
      %get3A_632 = vector.shape_cast %get3A_631 : vector<1x16xf32> to vector<16xf32>
      %get3A_633 = arith.constant 1 : i32
      %get3A_634 = arith.index_cast %get3A_633 : i32 to index
      %get3A_635 = arith.index_cast %add3A_627 : i32 to index
      %get3A_636 = tpu.vector_load %arg5[%get3A_634, %get3A_635] {strides = array<i32>} : memref<8x1024xf32, #tpu.memory_space<vmem>>, vector<1x16xf32>,
      %get3A_637 = vector.shape_cast %get3A_636 : vector<1x16xf32> to vector<16xf32>
      %get3A_638 = arith.constant 2 : i32
      %get3A_639 = arith.index_cast %get3A_638 : i32 to index
      %get3A_640 = arith.index_cast %add3A_627 : i32 to index
      %get3A_641 = tpu.vector_load %arg5[%get3A_639, %get3A_640] {strides = array<i32>} : memref<8x1024xf32, #tpu.memory_space<vmem>>, vector<1x16xf32>,
      %get3A_642 = vector.shape_cast %get3A_641 : vector<1x16xf32> to vector<16xf32>
      %get3A_643 = arith.constant 3 : i32
      %get3A_644 = arith.index_cast %get3A_643 : i32 to index
      %get3A_645 = arith.index_cast %add3A_627 : i32 to index
      %get3A_646 = tpu.vector_load %arg5[%get3A_644, %get3A_645] {strides = array<i32>} : memref<8x1024xf32, #tpu.memory_space<vmem>>, vector<1x16xf32>,
      %get3A_647 = vector.shape_cast %get3A_646 : vector<1x16xf32> to vector<16xf32>
      %get3A_648 = arith.constant 4 : i32
      %get3A_649 = arith.index_cast %get3A_648 : i32 to index
      %get3A_650 = arith.index_cast %add3A_627 : i32 to index
      %get3A_651 = tpu.vector_load %arg5[%get3A_649, %get3A_650] {strides = array<i32>} : memref<8x1024xf32, #tpu.memory_space<vmem>>, vector<1x16xf32>,
      %get3A_652 = vector.shape_cast %get3A_651 : vector<1x16xf32> to vector<16xf32>
      %get3A_653 = arith.constant 5 : i32
      %get3A_654 = arith.index_cast %get3A_653 : i32 to index
      %get3A_655 = arith.index_cast %add3A_627 : i32 to index
      %get3A_656 = tpu.vector_load %arg5[%get3A_654, %get3A_655] {strides = array<i32>} : memref<8x1024xf32, #tpu.memory_space<vmem>>, vector<1x16xf32>,
      %get3A_657 = vector.shape_cast %get3A_656 : vector<1x16xf32> to vector<16xf32>
      %get3A_658 = arith.constant 6 : i32
      %get3A_659 = arith.index_cast %get3A_658 : i32 to index
      %get3A_660 = arith.index_cast %add3A_627 : i32 to index
      %get3A_661 = tpu.vector_load %arg5[%get3A_659, %get3A_660] {strides = array<i32>} : memref<8x1024xf32, #tpu.memory_space<vmem>>, vector<1x16xf32>,
      %get3A_662 = vector.shape_cast %get3A_661 : vector<1x16xf32> to vector<16xf32>
      %get3A_663 = arith.constant 7 : i32
      %get3A_664 = arith.index_cast %get3A_663 : i32 to index
      %get3A_665 = arith.index_cast %add3A_627 : i32 to index
      %get3A_666 = tpu.vector_load %arg5[%get3A_664, %get3A_665] {strides = array<i32>} : memref<8x1024xf32, #tpu.memory_space<vmem>>, vector<1x16xf32>,
      %get3A_667 = vector.shape_cast %get3A_666 : vector<1x16xf32> to vector<16xf32>
      %max3A_668 = arith.maximumf %get3A_632, %get3A_637 : vector<16xf32>
      %max3A_669 = arith.maximumf %max3A_668, %get3A_642 : vector<16xf32>
      %max3A_670 = arith.maximumf %max3A_669, %get3A_647 : vector<16xf32>
      %max3A_671 = arith.maximumf %max3A_670, %get3A_652 : vector<16xf32>
      %max3A_672 = arith.maximumf %max3A_671, %get3A_657 : vector<16xf32>
      %max3A_673 = arith.maximumf %max3A_672, %get3A_662 : vector<16xf32>
      %max3A_674 = arith.maximumf %max3A_673, %get3A_667 : vector<16xf32>
      %eq3A_675 = arith.cmpf oeq, %get3A_667, %max3A_674 : vector<16xf32>
      %broadcast_in_dim3A_676 = arith.constant 7 : i32
      %broadcast_in_dim3A_677 = vector.broadcast %broadcast_in_dim3A_676 : i32 to vector<16xi32>
      %select_n3A_678 = arith.select %eq3A_675, %broadcast_in_dim3A_677, %broadcast_in_dim3A_3 : vector<16xi1>, vector<16xi32>
      %eq3A_679 = arith.cmpf oeq, %get3A_662, %max3A_674 : vector<16xf32>
      %broadcast_in_dim3A_680 = arith.constant 6 : i32
      %broadcast_in_dim3A_681 = vector.broadcast %broadcast_in_dim3A_680 : i32 to vector<16xi32>
      %select_n3A_682 = arith.select %eq3A_679, %broadcast_in_dim3A_681, %select_n3A_678 : vector<16xi1>, vector<16xi32>
      %eq3A_683 = arith.cmpf oeq, %get3A_657, %max3A_674 : vector<16xf32>
      %broadcast_in_dim3A_684 = arith.constant 5 : i32
      %broadcast_in_dim3A_685 = vector.broadcast %broadcast_in_dim3A_684 : i32 to vector<16xi32>
      %select_n3A_686 = arith.select %eq3A_683, %broadcast_in_dim3A_685, %select_n3A_682 : vector<16xi1>, vector<16xi32>
      %eq3A_687 = arith.cmpf oeq, %get3A_652, %max3A_674 : vector<16xf32>
      %broadcast_in_dim3A_688 = arith.constant 4 : i32
      %broadcast_in_dim3A_689 = vector.broadcast %broadcast_in_dim3A_688 : i32 to vector<16xi32>
      %select_n3A_690 = arith.select %eq3A_687, %broadcast_in_dim3A_689, %select_n3A_686 : vector<16xi1>, vector<16xi32>
      %eq3A_691 = arith.cmpf oeq, %get3A_647, %max3A_674 : vector<16xf32>
      %broadcast_in_dim3A_692 = arith.constant 3 : i32
      %broadcast_in_dim3A_693 = vector.broadcast %broadcast_in_dim3A_692 : i32 to vector<16xi32>
      %select_n3A_694 = arith.select %eq3A_691, %broadcast_in_dim3A_693, %select_n3A_690 : vector<16xi1>, vector<16xi32>
      %eq3A_695 = arith.cmpf oeq, %get3A_642, %max3A_674 : vector<16xf32>
      %broadcast_in_dim3A_696 = arith.constant 2 : i32
      %broadcast_in_dim3A_697 = vector.broadcast %broadcast_in_dim3A_696 : i32 to vector<16xi32>
      %select_n3A_698 = arith.select %eq3A_695, %broadcast_in_dim3A_697, %select_n3A_694 : vector<16xi1>, vector<16xi32>
      %eq3A_699 = arith.cmpf oeq, %get3A_637, %max3A_674 : vector<16xf32>
      %broadcast_in_dim3A_700 = arith.constant 1 : i32
      %broadcast_in_dim3A_701 = vector.broadcast %broadcast_in_dim3A_700 : i32 to vector<16xi32>
      %select_n3A_702 = arith.select %eq3A_699, %broadcast_in_dim3A_701, %select_n3A_698 : vector<16xi1>, vector<16xi32>
      %eq3A_703 = arith.cmpf oeq, %get3A_632, %max3A_674 : vector<16xf32>
      %broadcast_in_dim3A_704 = arith.constant 0 : i32
      %broadcast_in_dim3A_705 = vector.broadcast %broadcast_in_dim3A_704 : i32 to vector<16xi32>
      %select_n3A_706 = arith.select %eq3A_703, %broadcast_in_dim3A_705, %select_n3A_702 : vector<16xi1>, vector<16xi32>
      %eq3A_707 = arith.constant 0 : i32
      %eq3A_708 = vector.broadcast %eq3A_707 : i32 to vector<16xi32>
      %eq3A_709 = arith.cmpi eq, %select_n3A_706, %eq3A_708 : vector<16xi32>
      %jit3A_710 = arith.constant 0xFF800000 : f32
      %broadcast_in_dim3A_711 = vector.broadcast %jit3A_710 : f32 to vector<16xf32>
      %select_n3A_712 = arith.select %eq3A_709, %broadcast_in_dim3A_711, %get3A_632 : vector<16xi1>, vector<16xf32>
      %eq3A_713 = arith.constant 1 : i32
      %eq3A_714 = vector.broadcast %eq3A_713 : i32 to vector<16xi32>
      %eq3A_715 = arith.cmpi eq, %select_n3A_706, %eq3A_714 : vector<16xi32>
      %jit3A_716 = arith.constant 0xFF800000 : f32
      %broadcast_in_dim3A_717 = vector.broadcast %jit3A_716 : f32 to vector<16xf32>
      %select_n3A_718 = arith.select %eq3A_715, %broadcast_in_dim3A_717, %get3A_637 : vector<16xi1>, vector<16xf32>
      %eq3A_719 = arith.constant 2 : i32
      %eq3A_720 = vector.broadcast %eq3A_719 : i32 to vector<16xi32>
      %eq3A_721 = arith.cmpi eq, %select_n3A_706, %eq3A_720 : vector<16xi32>
      %jit3A_722 = arith.constant 0xFF800000 : f32
      %broadcast_in_dim3A_723 = vector.broadcast %jit3A_722 : f32 to vector<16xf32>
      %select_n3A_724 = arith.select %eq3A_721, %broadcast_in_dim3A_723, %get3A_642 : vector<16xi1>, vector<16xf32>
      %eq3A_725 = arith.constant 3 : i32
      %eq3A_726 = vector.broadcast %eq3A_725 : i32 to vector<16xi32>
      %eq3A_727 = arith.cmpi eq, %select_n3A_706, %eq3A_726 : vector<16xi32>
      %jit3A_728 = arith.constant 0xFF800000 : f32
      %broadcast_in_dim3A_729 = vector.broadcast %jit3A_728 : f32 to vector<16xf32>
      %select_n3A_730 = arith.select %eq3A_727, %broadcast_in_dim3A_729, %get3A_647 : vector<16xi1>, vector<16xf32>
      %eq3A_731 = arith.constant 4 : i32
      %eq3A_732 = vector.broadcast %eq3A_731 : i32 to vector<16xi32>
      %eq3A_733 = arith.cmpi eq, %select_n3A_706, %eq3A_732 : vector<16xi32>
      %jit3A_734 = arith.constant 0xFF800000 : f32
      %broadcast_in_dim3A_735 = vector.broadcast %jit3A_734 : f32 to vector<16xf32>
      %select_n3A_736 = arith.select %eq3A_733, %broadcast_in_dim3A_735, %get3A_652 : vector<16xi1>, vector<16xf32>
      %eq3A_737 = arith.constant 5 : i32
      %eq3A_738 = vector.broadcast %eq3A_737 : i32 to vector<16xi32>
      %eq3A_739 = arith.cmpi eq, %select_n3A_706, %eq3A_738 : vector<16xi32>
      %jit3A_740 = arith.constant 0xFF800000 : f32
      %broadcast_in_dim3A_741 = vector.broadcast %jit3A_740 : f32 to vector<16xf32>
      %select_n3A_742 = arith.select %eq3A_739, %broadcast_in_dim3A_741, %get3A_657 : vector<16xi1>, vector<16xf32>
      %eq3A_743 = arith.constant 6 : i32
      %eq3A_744 = vector.broadcast %eq3A_743 : i32 to vector<16xi32>
      %eq3A_745 = arith.cmpi eq, %select_n3A_706, %eq3A_744 : vector<16xi32>
      %jit3A_746 = arith.constant 0xFF800000 : f32
      %broadcast_in_dim3A_747 = vector.broadcast %jit3A_746 : f32 to vector<16xf32>
      %select_n3A_748 = arith.select %eq3A_745, %broadcast_in_dim3A_747, %get3A_662 : vector<16xi1>, vector<16xf32>
      %eq3A_749 = arith.constant 7 : i32
      %eq3A_750 = vector.broadcast %eq3A_749 : i32 to vector<16xi32>
      %eq3A_751 = arith.cmpi eq, %select_n3A_706, %eq3A_750 : vector<16xi32>
      %jit3A_752 = arith.constant 0xFF800000 : f32
      %broadcast_in_dim3A_753 = vector.broadcast %jit3A_752 : f32 to vector<16xf32>
      %select_n3A_754 = arith.select %eq3A_751, %broadcast_in_dim3A_753, %get3A_667 : vector<16xi1>, vector<16xf32>
      %max3A_755 = arith.maximumf %select_n3A_712, %select_n3A_718 : vector<16xf32>
      %max3A_756 = arith.maximumf %max3A_755, %select_n3A_724 : vector<16xf32>
      %max3A_757 = arith.maximumf %max3A_756, %select_n3A_730 : vector<16xf32>
      %max3A_758 = arith.maximumf %max3A_757, %select_n3A_736 : vector<16xf32>
      %max3A_759 = arith.maximumf %max3A_758, %select_n3A_742 : vector<16xf32>
      %max3A_760 = arith.maximumf %max3A_759, %select_n3A_748 : vector<16xf32>
      %max3A_761 = arith.maximumf %max3A_760, %select_n3A_754 : vector<16xf32>
      %eq3A_762 = arith.cmpf oeq, %select_n3A_754, %max3A_761 : vector<16xf32>
      %broadcast_in_dim3A_763 = arith.constant 7 : i32
      %broadcast_in_dim3A_764 = vector.broadcast %broadcast_in_dim3A_763 : i32 to vector<16xi32>
      %select_n3A_765 = arith.select %eq3A_762, %broadcast_in_dim3A_764, %broadcast_in_dim3A_3 : vector<16xi1>, vector<16xi32>
      %eq3A_766 = arith.cmpf oeq, %select_n3A_748, %max3A_761 : vector<16xf32>
      %broadcast_in_dim3A_767 = arith.constant 6 : i32
      %broadcast_in_dim3A_768 = vector.broadcast %broadcast_in_dim3A_767 : i32 to vector<16xi32>
      %select_n3A_769 = arith.select %eq3A_766, %broadcast_in_dim3A_768, %select_n3A_765 : vector<16xi1>, vector<16xi32>
      %eq3A_770 = arith.cmpf oeq, %select_n3A_742, %max3A_761 : vector<16xf32>
      %broadcast_in_dim3A_771 = arith.constant 5 : i32
      %broadcast_in_dim3A_772 = vector.broadcast %broadcast_in_dim3A_771 : i32 to vector<16xi32>
      %select_n3A_773 = arith.select %eq3A_770, %broadcast_in_dim3A_772, %select_n3A_769 : vector<16xi1>, vector<16xi32>
      %eq3A_774 = arith.cmpf oeq, %select_n3A_736, %max3A_761 : vector<16xf32>
      %broadcast_in_dim3A_775 = arith.constant 4 : i32
      %broadcast_in_dim3A_776 = vector.broadcast %broadcast_in_dim3A_775 : i32 to vector<16xi32>
      %select_n3A_777 = arith.select %eq3A_774, %broadcast_in_dim3A_776, %select_n3A_773 : vector<16xi1>, vector<16xi32>
      %eq3A_778 = arith.cmpf oeq, %select_n3A_730, %max3A_761 : vector<16xf32>
      %broadcast_in_dim3A_779 = arith.constant 3 : i32
      %broadcast_in_dim3A_780 = vector.broadcast %broadcast_in_dim3A_779 : i32 to vector<16xi32>
      %select_n3A_781 = arith.select %eq3A_778, %broadcast_in_dim3A_780, %select_n3A_777 : vector<16xi1>, vector<16xi32>
      %eq3A_782 = arith.cmpf oeq, %select_n3A_724, %max3A_761 : vector<16xf32>
      %broadcast_in_dim3A_783 = arith.constant 2 : i32
      %broadcast_in_dim3A_784 = vector.broadcast %broadcast_in_dim3A_783 : i32 to vector<16xi32>
      %select_n3A_785 = arith.select %eq3A_782, %broadcast_in_dim3A_784, %select_n3A_781 : vector<16xi1>, vector<16xi32>
      %eq3A_786 = arith.cmpf oeq, %select_n3A_718, %max3A_761 : vector<16xf32>
      %broadcast_in_dim3A_787 = arith.constant 1 : i32
      %broadcast_in_dim3A_788 = vector.broadcast %broadcast_in_dim3A_787 : i32 to vector<16xi32>
      %select_n3A_789 = arith.select %eq3A_786, %broadcast_in_dim3A_788, %select_n3A_785 : vector<16xi1>, vector<16xi32>
      %eq3A_790 = arith.cmpf oeq, %select_n3A_712, %max3A_761 : vector<16xf32>
      %broadcast_in_dim3A_791 = arith.constant 0 : i32
      %broadcast_in_dim3A_792 = vector.broadcast %broadcast_in_dim3A_791 : i32 to vector<16xi32>
      %select_n3A_793 = arith.select %eq3A_790, %broadcast_in_dim3A_792, %select_n3A_789 : vector<16xi1>, vector<16xi32>
      %sub3A_794 = arith.subf %max3A_761, %max3A_674 : vector<16xf32>
      %exp3A_795 = math.exp %sub3A_794 : vector<16xf32>
      %add3A_796 = arith.constant 1.000000e+00 : f32
      %add3A_797 = vector.broadcast %add3A_796 : f32 to vector<16xf32>
      %add3A_798 = arith.addf %add3A_797, %exp3A_795 : vector<16xf32>
      %div3A_799 = arith.constant 1.000000e+00 : f32
      %div3A_800 = vector.broadcast %div3A_799 : f32 to vector<16xf32>
      %div3A_801 = arith.divf %div3A_800, %add3A_798 : vector<16xf32>
      %mul3A_802 = arith.mulf %exp3A_795, %div3A_801 : vector<16xf32>
      %swap3A_803 = arith.constant 0 : i32
      %swap3A_804 = arith.index_cast %swap3A_803 : i32 to index
      %swap3A_805 = arith.index_cast %add3A_627 : i32 to index
      %swap3A_806 = tpu.vector_load %arg6[%swap3A_804, %swap3A_805] {strides = array<i32>} : memref<2x1024xf32, #tpu.memory_space<vmem>>, vector<1x16xf32>,
      %swap3A_807 = vector.shape_cast %swap3A_806 : vector<1x16xf32> to vector<16xf32>
      %swap3A_808 = vector.shape_cast %div3A_801 : vector<16xf32> to vector<1x16xf32>
      tpu.vector_store %arg6[%swap3A_804, %swap3A_805], %swap3A_808 {strides = array<i32>} : memref<2x1024xf32, #tpu.memory_space<vmem>>, vector<1x16xf32>,
      %swap3A_809 = arith.constant 1 : i32
      %swap3A_810 = arith.index_cast %swap3A_809 : i32 to index
      %swap3A_811 = arith.index_cast %add3A_627 : i32 to index
      %swap3A_812 = tpu.vector_load %arg6[%swap3A_810, %swap3A_811] {strides = array<i32>} : memref<2x1024xf32, #tpu.memory_space<vmem>>, vector<1x16xf32>,
      %swap3A_813 = vector.shape_cast %swap3A_812 : vector<1x16xf32> to vector<16xf32>
      %swap3A_814 = vector.shape_cast %mul3A_802 : vector<16xf32> to vector<1x16xf32>
      tpu.vector_store %arg6[%swap3A_810, %swap3A_811], %swap3A_814 {strides = array<i32>} : memref<2x1024xf32, #tpu.memory_space<vmem>>, vector<1x16xf32>,
      %swap3A_815 = arith.constant 0 : i32
      %swap3A_816 = arith.index_cast %swap3A_815 : i32 to index
      %swap3A_817 = arith.index_cast %add3A_627 : i32 to index
      %swap3A_818 = tpu.vector_load %arg7[%swap3A_816, %swap3A_817] {strides = array<i32>} : memref<2x1024xi32, #tpu.memory_space<vmem>>, vector<1x16xi32>,
      %swap3A_819 = vector.shape_cast %swap3A_818 : vector<1x16xi32> to vector<16xi32>
      %swap3A_820 = vector.shape_cast %select_n3A_706 : vector<16xi32> to vector<1x16xi32>
      tpu.vector_store %arg7[%swap3A_816, %swap3A_817], %swap3A_820 {strides = array<i32>} : memref<2x1024xi32, #tpu.memory_space<vmem>>, vector<1x16xi32>,
      %swap3A_821 = arith.constant 1 : i32
      %swap3A_822 = arith.index_cast %swap3A_821 : i32 to index
      %swap3A_823 = arith.index_cast %add3A_627 : i32 to index
      %swap3A_824 = tpu.vector_load %arg7[%swap3A_822, %swap3A_823] {strides = array<i32>} : memref<2x1024xi32, #tpu.memory_space<vmem>>, vector<1x16xi32>,
      %swap3A_825 = vector.shape_cast %swap3A_824 : vector<1x16xi32> to vector<16xi32>
      %swap3A_826 = vector.shape_cast %select_n3A_793 : vector<16xi32> to vector<1x16xi32>
      tpu.vector_store %arg7[%swap3A_822, %swap3A_823], %swap3A_826 {strides = array<i32>} : memref<2x1024xi32, #tpu.memory_space<vmem>>, vector<1x16xi32>,
      %add3A_827 = arith.constant 64 : i32
      %add3A_828 = arith.addi %mul3A_31, %add3A_827 : i32
      %get3A_829 = arith.constant 0 : i32
      %get3A_830 = arith.index_cast %get3A_829 : i32 to index
      %get3A_831 = arith.index_cast %add3A_828 : i32 to index
      %get3A_832 = tpu.vector_load %arg5[%get3A_830, %get3A_831] {strides = array<i32>} : memref<8x1024xf32, #tpu.memory_space<vmem>>, vector<1x16xf32>,
      %get3A_833 = vector.shape_cast %get3A_832 : vector<1x16xf32> to vector<16xf32>
      %get3A_834 = arith.constant 1 : i32
      %get3A_835 = arith.index_cast %get3A_834 : i32 to index
      %get3A_836 = arith.index_cast %add3A_828 : i32 to index
      %get3A_837 = tpu.vector_load %arg5[%get3A_835, %get3A_836] {strides = array<i32>} : memref<8x1024xf32, #tpu.memory_space<vmem>>, vector<1x16xf32>,
      %get3A_838 = vector.shape_cast %get3A_837 : vector<1x16xf32> to vector<16xf32>
      %get3A_839 = arith.constant 2 : i32
      %get3A_840 = arith.index_cast %get3A_839 : i32 to index
      %get3A_841 = arith.index_cast %add3A_828 : i32 to index
      %get3A_842 = tpu.vector_load %arg5[%get3A_840, %get3A_841] {strides = array<i32>} : memref<8x1024xf32, #tpu.memory_space<vmem>>, vector<1x16xf32>,
      %get3A_843 = vector.shape_cast %get3A_842 : vector<1x16xf32> to vector<16xf32>
      %get3A_844 = arith.constant 3 : i32
      %get3A_845 = arith.index_cast %get3A_844 : i32 to index
      %get3A_846 = arith.index_cast %add3A_828 : i32 to index
      %get3A_847 = tpu.vector_load %arg5[%get3A_845, %get3A_846] {strides = array<i32>} : memref<8x1024xf32, #tpu.memory_space<vmem>>, vector<1x16xf32>,
      %get3A_848 = vector.shape_cast %get3A_847 : vector<1x16xf32> to vector<16xf32>
      %get3A_849 = arith.constant 4 : i32
      %get3A_850 = arith.index_cast %get3A_849 : i32 to index
      %get3A_851 = arith.index_cast %add3A_828 : i32 to index
      %get3A_852 = tpu.vector_load %arg5[%get3A_850, %get3A_851] {strides = array<i32>} : memref<8x1024xf32, #tpu.memory_space<vmem>>, vector<1x16xf32>,
      %get3A_853 = vector.shape_cast %get3A_852 : vector<1x16xf32> to vector<16xf32>
      %get3A_854 = arith.constant 5 : i32
      %get3A_855 = arith.index_cast %get3A_854 : i32 to index
      %get3A_856 = arith.index_cast %add3A_828 : i32 to index
      %get3A_857 = tpu.vector_load %arg5[%get3A_855, %get3A_856] {strides = array<i32>} : memref<8x1024xf32, #tpu.memory_space<vmem>>, vector<1x16xf32>,
      %get3A_858 = vector.shape_cast %get3A_857 : vector<1x16xf32> to vector<16xf32>
      %get3A_859 = arith.constant 6 : i32
      %get3A_860 = arith.index_cast %get3A_859 : i32 to index
      %get3A_861 = arith.index_cast %add3A_828 : i32 to index
      %get3A_862 = tpu.vector_load %arg5[%get3A_860, %get3A_861] {strides = array<i32>} : memref<8x1024xf32, #tpu.memory_space<vmem>>, vector<1x16xf32>,
      %get3A_863 = vector.shape_cast %get3A_862 : vector<1x16xf32> to vector<16xf32>
      %get3A_864 = arith.constant 7 : i32
      %get3A_865 = arith.index_cast %get3A_864 : i32 to index
      %get3A_866 = arith.index_cast %add3A_828 : i32 to index
      %get3A_867 = tpu.vector_load %arg5[%get3A_865, %get3A_866] {strides = array<i32>} : memref<8x1024xf32, #tpu.memory_space<vmem>>, vector<1x16xf32>,
      %get3A_868 = vector.shape_cast %get3A_867 : vector<1x16xf32> to vector<16xf32>
      %max3A_869 = arith.maximumf %get3A_833, %get3A_838 : vector<16xf32>
      %max3A_870 = arith.maximumf %max3A_869, %get3A_843 : vector<16xf32>
      %max3A_871 = arith.maximumf %max3A_870, %get3A_848 : vector<16xf32>
      %max3A_872 = arith.maximumf %max3A_871, %get3A_853 : vector<16xf32>
      %max3A_873 = arith.maximumf %max3A_872, %get3A_858 : vector<16xf32>
      %max3A_874 = arith.maximumf %max3A_873, %get3A_863 : vector<16xf32>
      %max3A_875 = arith.maximumf %max3A_874, %get3A_868 : vector<16xf32>
      %eq3A_876 = arith.cmpf oeq, %get3A_868, %max3A_875 : vector<16xf32>
      %broadcast_in_dim3A_877 = arith.constant 7 : i32
      %broadcast_in_dim3A_878 = vector.broadcast %broadcast_in_dim3A_877 : i32 to vector<16xi32>
      %select_n3A_879 = arith.select %eq3A_876, %broadcast_in_dim3A_878, %broadcast_in_dim3A_3 : vector<16xi1>, vector<16xi32>
      %eq3A_880 = arith.cmpf oeq, %get3A_863, %max3A_875 : vector<16xf32>
      %broadcast_in_dim3A_881 = arith.constant 6 : i32
      %broadcast_in_dim3A_882 = vector.broadcast %broadcast_in_dim3A_881 : i32 to vector<16xi32>
      %select_n3A_883 = arith.select %eq3A_880, %broadcast_in_dim3A_882, %select_n3A_879 : vector<16xi1>, vector<16xi32>
      %eq3A_884 = arith.cmpf oeq, %get3A_858, %max3A_875 : vector<16xf32>
      %broadcast_in_dim3A_885 = arith.constant 5 : i32
      %broadcast_in_dim3A_886 = vector.broadcast %broadcast_in_dim3A_885 : i32 to vector<16xi32>
      %select_n3A_887 = arith.select %eq3A_884, %broadcast_in_dim3A_886, %select_n3A_883 : vector<16xi1>, vector<16xi32>
      %eq3A_888 = arith.cmpf oeq, %get3A_853, %max3A_875 : vector<16xf32>
      %broadcast_in_dim3A_889 = arith.constant 4 : i32
      %broadcast_in_dim3A_890 = vector.broadcast %broadcast_in_dim3A_889 : i32 to vector<16xi32>
      %select_n3A_891 = arith.select %eq3A_888, %broadcast_in_dim3A_890, %select_n3A_887 : vector<16xi1>, vector<16xi32>
      %eq3A_892 = arith.cmpf oeq, %get3A_848, %max3A_875 : vector<16xf32>
      %broadcast_in_dim3A_893 = arith.constant 3 : i32
      %broadcast_in_dim3A_894 = vector.broadcast %broadcast_in_dim3A_893 : i32 to vector<16xi32>
      %select_n3A_895 = arith.select %eq3A_892, %broadcast_in_dim3A_894, %select_n3A_891 : vector<16xi1>, vector<16xi32>
      %eq3A_896 = arith.cmpf oeq, %get3A_843, %max3A_875 : vector<16xf32>
      %broadcast_in_dim3A_897 = arith.constant 2 : i32
      %broadcast_in_dim3A_898 = vector.broadcast %broadcast_in_dim3A_897 : i32 to vector<16xi32>
      %select_n3A_899 = arith.select %eq3A_896, %broadcast_in_dim3A_898, %select_n3A_895 : vector<16xi1>, vector<16xi32>
      %eq3A_900 = arith.cmpf oeq, %get3A_838, %max3A_875 : vector<16xf32>
      %broadcast_in_dim3A_901 = arith.constant 1 : i32
      %broadcast_in_dim3A_902 = vector.broadcast %broadcast_in_dim3A_901 : i32 to vector<16xi32>
      %select_n3A_903 = arith.select %eq3A_900, %broadcast_in_dim3A_902, %select_n3A_899 : vector<16xi1>, vector<16xi32>
      %eq3A_904 = arith.cmpf oeq, %get3A_833, %max3A_875 : vector<16xf32>
      %broadcast_in_dim3A_905 = arith.constant 0 : i32
      %broadcast_in_dim3A_906 = vector.broadcast %broadcast_in_dim3A_905 : i32 to vector<16xi32>
      %select_n3A_907 = arith.select %eq3A_904, %broadcast_in_dim3A_906, %select_n3A_903 : vector<16xi1>, vector<16xi32>
      %eq3A_908 = arith.constant 0 : i32
      %eq3A_909 = vector.broadcast %eq3A_908 : i32 to vector<16xi32>
      %eq3A_910 = arith.cmpi eq, %select_n3A_907, %eq3A_909 : vector<16xi32>
      %jit3A_911 = arith.constant 0xFF800000 : f32
      %broadcast_in_dim3A_912 = vector.broadcast %jit3A_911 : f32 to vector<16xf32>
      %select_n3A_913 = arith.select %eq3A_910, %broadcast_in_dim3A_912, %get3A_833 : vector<16xi1>, vector<16xf32>
      %eq3A_914 = arith.constant 1 : i32
      %eq3A_915 = vector.broadcast %eq3A_914 : i32 to vector<16xi32>
      %eq3A_916 = arith.cmpi eq, %select_n3A_907, %eq3A_915 : vector<16xi32>
      %jit3A_917 = arith.constant 0xFF800000 : f32
      %broadcast_in_dim3A_918 = vector.broadcast %jit3A_917 : f32 to vector<16xf32>
      %select_n3A_919 = arith.select %eq3A_916, %broadcast_in_dim3A_918, %get3A_838 : vector<16xi1>, vector<16xf32>
      %eq3A_920 = arith.constant 2 : i32
      %eq3A_921 = vector.broadcast %eq3A_920 : i32 to vector<16xi32>
      %eq3A_922 = arith.cmpi eq, %select_n3A_907, %eq3A_921 : vector<16xi32>
      %jit3A_923 = arith.constant 0xFF800000 : f32
      %broadcast_in_dim3A_924 = vector.broadcast %jit3A_923 : f32 to vector<16xf32>
      %select_n3A_925 = arith.select %eq3A_922, %broadcast_in_dim3A_924, %get3A_843 : vector<16xi1>, vector<16xf32>
      %eq3A_926 = arith.constant 3 : i32
      %eq3A_927 = vector.broadcast %eq3A_926 : i32 to vector<16xi32>
      %eq3A_928 = arith.cmpi eq, %select_n3A_907, %eq3A_927 : vector<16xi32>
      %jit3A_929 = arith.constant 0xFF800000 : f32
      %broadcast_in_dim3A_930 = vector.broadcast %jit3A_929 : f32 to vector<16xf32>
      %select_n3A_931 = arith.select %eq3A_928, %broadcast_in_dim3A_930, %get3A_848 : vector<16xi1>, vector<16xf32>
      %eq3A_932 = arith.constant 4 : i32
      %eq3A_933 = vector.broadcast %eq3A_932 : i32 to vector<16xi32>
      %eq3A_934 = arith.cmpi eq, %select_n3A_907, %eq3A_933 : vector<16xi32>
      %jit3A_935 = arith.constant 0xFF800000 : f32
      %broadcast_in_dim3A_936 = vector.broadcast %jit3A_935 : f32 to vector<16xf32>
      %select_n3A_937 = arith.select %eq3A_934, %broadcast_in_dim3A_936, %get3A_853 : vector<16xi1>, vector<16xf32>
      %eq3A_938 = arith.constant 5 : i32
      %eq3A_939 = vector.broadcast %eq3A_938 : i32 to vector<16xi32>
      %eq3A_940 = arith.cmpi eq, %select_n3A_907, %eq3A_939 : vector<16xi32>
      %jit3A_941 = arith.constant 0xFF800000 : f32
      %broadcast_in_dim3A_942 = vector.broadcast %jit3A_941 : f32 to vector<16xf32>
      %select_n3A_943 = arith.select %eq3A_940, %broadcast_in_dim3A_942, %get3A_858 : vector<16xi1>, vector<16xf32>
      %eq3A_944 = arith.constant 6 : i32
      %eq3A_945 = vector.broadcast %eq3A_944 : i32 to vector<16xi32>
      %eq3A_946 = arith.cmpi eq, %select_n3A_907, %eq3A_945 : vector<16xi32>
      %jit3A_947 = arith.constant 0xFF800000 : f32
      %broadcast_in_dim3A_948 = vector.broadcast %jit3A_947 : f32 to vector<16xf32>
      %select_n3A_949 = arith.select %eq3A_946, %broadcast_in_dim3A_948, %get3A_863 : vector<16xi1>, vector<16xf32>
      %eq3A_950 = arith.constant 7 : i32
      %eq3A_951 = vector.broadcast %eq3A_950 : i32 to vector<16xi32>
      %eq3A_952 = arith.cmpi eq, %select_n3A_907, %eq3A_951 : vector<16xi32>
      %jit3A_953 = arith.constant 0xFF800000 : f32
      %broadcast_in_dim3A_954 = vector.broadcast %jit3A_953 : f32 to vector<16xf32>
      %select_n3A_955 = arith.select %eq3A_952, %broadcast_in_dim3A_954, %get3A_868 : vector<16xi1>, vector<16xf32>
      %max3A_956 = arith.maximumf %select_n3A_913, %select_n3A_919 : vector<16xf32>
      %max3A_957 = arith.maximumf %max3A_956, %select_n3A_925 : vector<16xf32>
      %max3A_958 = arith.maximumf %max3A_957, %select_n3A_931 : vector<16xf32>
      %max3A_959 = arith.maximumf %max3A_958, %select_n3A_937 : vector<16xf32>
      %max3A_960 = arith.maximumf %max3A_959, %select_n3A_943 : vector<16xf32>
      %max3A_961 = arith.maximumf %max3A_960, %select_n3A_949 : vector<16xf32>
      %max3A_962 = arith.maximumf %max3A_961, %select_n3A_955 : vector<16xf32>
      %eq3A_963 = arith.cmpf oeq, %select_n3A_955, %max3A_962 : vector<16xf32>
      %broadcast_in_dim3A_964 = arith.constant 7 : i32
      %broadcast_in_dim3A_965 = vector.broadcast %broadcast_in_dim3A_964 : i32 to vector<16xi32>
      %select_n3A_966 = arith.select %eq3A_963, %broadcast_in_dim3A_965, %broadcast_in_dim3A_3 : vector<16xi1>, vector<16xi32>
      %eq3A_967 = arith.cmpf oeq, %select_n3A_949, %max3A_962 : vector<16xf32>
      %broadcast_in_dim3A_968 = arith.constant 6 : i32
      %broadcast_in_dim3A_969 = vector.broadcast %broadcast_in_dim3A_968 : i32 to vector<16xi32>
      %select_n3A_970 = arith.select %eq3A_967, %broadcast_in_dim3A_969, %select_n3A_966 : vector<16xi1>, vector<16xi32>
      %eq3A_971 = arith.cmpf oeq, %select_n3A_943, %max3A_962 : vector<16xf32>
      %broadcast_in_dim3A_972 = arith.constant 5 : i32
      %broadcast_in_dim3A_973 = vector.broadcast %broadcast_in_dim3A_972 : i32 to vector<16xi32>
      %select_n3A_974 = arith.select %eq3A_971, %broadcast_in_dim3A_973, %select_n3A_970 : vector<16xi1>, vector<16xi32>
      %eq3A_975 = arith.cmpf oeq, %select_n3A_937, %max3A_962 : vector<16xf32>
      %broadcast_in_dim3A_976 = arith.constant 4 : i32
      %broadcast_in_dim3A_977 = vector.broadcast %broadcast_in_dim3A_976 : i32 to vector<16xi32>
      %select_n3A_978 = arith.select %eq3A_975, %broadcast_in_dim3A_977, %select_n3A_974 : vector<16xi1>, vector<16xi32>
      %eq3A_979 = arith.cmpf oeq, %select_n3A_931, %max3A_962 : vector<16xf32>
      %broadcast_in_dim3A_980 = arith.constant 3 : i32
      %broadcast_in_dim3A_981 = vector.broadcast %broadcast_in_dim3A_980 : i32 to vector<16xi32>
      %select_n3A_982 = arith.select %eq3A_979, %broadcast_in_dim3A_981, %select_n3A_978 : vector<16xi1>, vector<16xi32>
      %eq3A_983 = arith.cmpf oeq, %select_n3A_925, %max3A_962 : vector<16xf32>
      %broadcast_in_dim3A_984 = arith.constant 2 : i32
      %broadcast_in_dim3A_985 = vector.broadcast %broadcast_in_dim3A_984 : i32 to vector<16xi32>
      %select_n3A_986 = arith.select %eq3A_983, %broadcast_in_dim3A_985, %select_n3A_982 : vector<16xi1>, vector<16xi32>
      %eq3A_987 = arith.cmpf oeq, %select_n3A_919, %max3A_962 : vector<16xf32>
      %broadcast_in_dim3A_988 = arith.constant 1 : i32
      %broadcast_in_dim3A_989 = vector.broadcast %broadcast_in_dim3A_988 : i32 to vector<16xi32>
      %select_n3A_990 = arith.select %eq3A_987, %broadcast_in_dim3A_989, %select_n3A_986 : vector<16xi1>, vector<16xi32>
      %eq3A_991 = arith.cmpf oeq, %select_n3A_913, %max3A_962 : vector<16xf32>
      %broadcast_in_dim3A_992 = arith.constant 0 : i32
      %broadcast_in_dim3A_993 = vector.broadcast %broadcast_in_dim3A_992 : i32 to vector<16xi32>
      %select_n3A_994 = arith.select %eq3A_991, %broadcast_in_dim3A_993, %select_n3A_990 : vector<16xi1>, vector<16xi32>
      %sub3A_995 = arith.subf %max3A_962, %max3A_875 : vector<16xf32>
      %exp3A_996 = math.exp %sub3A_995 : vector<16xf32>
      %add3A_997 = arith.constant 1.000000e+00 : f32
      %add3A_998 = vector.broadcast %add3A_997 : f32 to vector<16xf32>
      %add3A_999 = arith.addf %add3A_998, %exp3A_996 : vector<16xf32>
      %div3A_1000 = arith.constant 1.000000e+00 : f32
      %div3A_1001 = vector.broadcast %div3A_1000 : f32 to vector<16xf32>
      %div3A_1002 = arith.divf %div3A_1001, %add3A_999 : vector<16xf32>
      %mul3A_1003 = arith.mulf %exp3A_996, %div3A_1002 : vector<16xf32>
      %swap3A_1004 = arith.constant 0 : i32
      %swap3A_1005 = arith.index_cast %swap3A_1004 : i32 to index
      %swap3A_1006 = arith.index_cast %add3A_828 : i32 to index
      %swap3A_1007 = tpu.vector_load %arg6[%swap3A_1005, %swap3A_1006] {strides = array<i32>} : memref<2x1024xf32, #tpu.memory_space<vmem>>, vector<1x16xf32>,
      %swap3A_1008 = vector.shape_cast %swap3A_1007 : vector<1x16xf32> to vector<16xf32>
      %swap3A_1009 = vector.shape_cast %div3A_1002 : vector<16xf32> to vector<1x16xf32>
      tpu.vector_store %arg6[%swap3A_1005, %swap3A_1006], %swap3A_1009 {strides = array<i32>} : memref<2x1024xf32, #tpu.memory_space<vmem>>, vector<1x16xf32>,
      %swap3A_1010 = arith.constant 1 : i32
      %swap3A_1011 = arith.index_cast %swap3A_1010 : i32 to index
      %swap3A_1012 = arith.index_cast %add3A_828 : i32 to index
      %swap3A_1013 = tpu.vector_load %arg6[%swap3A_1011, %swap3A_1012] {strides = array<i32>} : memref<2x1024xf32, #tpu.memory_space<vmem>>, vector<1x16xf32>,
      %swap3A_1014 = vector.shape_cast %swap3A_1013 : vector<1x16xf32> to vector<16xf32>
      %swap3A_1015 = vector.shape_cast %mul3A_1003 : vector<16xf32> to vector<1x16xf32>
      tpu.vector_store %arg6[%swap3A_1011, %swap3A_1012], %swap3A_1015 {strides = array<i32>} : memref<2x1024xf32, #tpu.memory_space<vmem>>, vector<1x16xf32>,
      %swap3A_1016 = arith.constant 0 : i32
      %swap3A_1017 = arith.index_cast %swap3A_1016 : i32 to index
      %swap3A_1018 = arith.index_cast %add3A_828 : i32 to index
      %swap3A_1019 = tpu.vector_load %arg7[%swap3A_1017, %swap3A_1018] {strides = array<i32>} : memref<2x1024xi32, #tpu.memory_space<vmem>>, vector<1x16xi32>,
      %swap3A_1020 = vector.shape_cast %swap3A_1019 : vector<1x16xi32> to vector<16xi32>
      %swap3A_1021 = vector.shape_cast %select_n3A_907 : vector<16xi32> to vector<1x16xi32>
      tpu.vector_store %arg7[%swap3A_1017, %swap3A_1018], %swap3A_1021 {strides = array<i32>} : memref<2x1024xi32, #tpu.memory_space<vmem>>, vector<1x16xi32>,
      %swap3A_1022 = arith.constant 1 : i32
      %swap3A_1023 = arith.index_cast %swap3A_1022 : i32 to index
      %swap3A_1024 = arith.index_cast %add3A_828 : i32 to index
      %swap3A_1025 = tpu.vector_load %arg7[%swap3A_1023, %swap3A_1024] {strides = array<i32>} : memref<2x1024xi32, #tpu.memory_space<vmem>>, vector<1x16xi32>,
      %swap3A_1026 = vector.shape_cast %swap3A_1025 : vector<1x16xi32> to vector<16xi32>
      %swap3A_1027 = vector.shape_cast %select_n3A_994 : vector<16xi32> to vector<1x16xi32>
      tpu.vector_store %arg7[%swap3A_1023, %swap3A_1024], %swap3A_1027 {strides = array<i32>} : memref<2x1024xi32, #tpu.memory_space<vmem>>, vector<1x16xi32>,
      %add3A_1028 = arith.constant 80 : i32
      %add3A_1029 = arith.addi %mul3A_31, %add3A_1028 : i32
      %get3A_1030 = arith.constant 0 : i32
      %get3A_1031 = arith.index_cast %get3A_1030 : i32 to index
      %get3A_1032 = arith.index_cast %add3A_1029 : i32 to index
      %get3A_1033 = tpu.vector_load %arg5[%get3A_1031, %get3A_1032] {strides = array<i32>} : memref<8x1024xf32, #tpu.memory_space<vmem>>, vector<1x16xf32>,
      %get3A_1034 = vector.shape_cast %get3A_1033 : vector<1x16xf32> to vector<16xf32>
      %get3A_1035 = arith.constant 1 : i32
      %get3A_1036 = arith.index_cast %get3A_1035 : i32 to index
      %get3A_1037 = arith.index_cast %add3A_1029 : i32 to index
      %get3A_1038 = tpu.vector_load %arg5[%get3A_1036, %get3A_1037] {strides = array<i32>} : memref<8x1024xf32, #tpu.memory_space<vmem>>, vector<1x16xf32>,
      %get3A_1039 = vector.shape_cast %get3A_1038 : vector<1x16xf32> to vector<16xf32>
      %get3A_1040 = arith.constant 2 : i32
      %get3A_1041 = arith.index_cast %get3A_1040 : i32 to index
      %get3A_1042 = arith.index_cast %add3A_1029 : i32 to index
      %get3A_1043 = tpu.vector_load %arg5[%get3A_1041, %get3A_1042] {strides = array<i32>} : memref<8x1024xf32, #tpu.memory_space<vmem>>, vector<1x16xf32>,
      %get3A_1044 = vector.shape_cast %get3A_1043 : vector<1x16xf32> to vector<16xf32>
      %get3A_1045 = arith.constant 3 : i32
      %get3A_1046 = arith.index_cast %get3A_1045 : i32 to index
      %get3A_1047 = arith.index_cast %add3A_1029 : i32 to index
      %get3A_1048 = tpu.vector_load %arg5[%get3A_1046, %get3A_1047] {strides = array<i32>} : memref<8x1024xf32, #tpu.memory_space<vmem>>, vector<1x16xf32>,
      %get3A_1049 = vector.shape_cast %get3A_1048 : vector<1x16xf32> to vector<16xf32>
      %get3A_1050 = arith.constant 4 : i32
      %get3A_1051 = arith.index_cast %get3A_1050 : i32 to index
      %get3A_1052 = arith.index_cast %add3A_1029 : i32 to index
      %get3A_1053 = tpu.vector_load %arg5[%get3A_1051, %get3A_1052] {strides = array<i32>} : memref<8x1024xf32, #tpu.memory_space<vmem>>, vector<1x16xf32>,
      %get3A_1054 = vector.shape_cast %get3A_1053 : vector<1x16xf32> to vector<16xf32>
      %get3A_1055 = arith.constant 5 : i32
      %get3A_1056 = arith.index_cast %get3A_1055 : i32 to index
      %get3A_1057 = arith.index_cast %add3A_1029 : i32 to index
      %get3A_1058 = tpu.vector_load %arg5[%get3A_1056, %get3A_1057] {strides = array<i32>} : memref<8x1024xf32, #tpu.memory_space<vmem>>, vector<1x16xf32>,
      %get3A_1059 = vector.shape_cast %get3A_1058 : vector<1x16xf32> to vector<16xf32>
      %get3A_1060 = arith.constant 6 : i32
      %get3A_1061 = arith.index_cast %get3A_1060 : i32 to index
      %get3A_1062 = arith.index_cast %add3A_1029 : i32 to index
      %get3A_1063 = tpu.vector_load %arg5[%get3A_1061, %get3A_1062] {strides = array<i32>} : memref<8x1024xf32, #tpu.memory_space<vmem>>, vector<1x16xf32>,
      %get3A_1064 = vector.shape_cast %get3A_1063 : vector<1x16xf32> to vector<16xf32>
      %get3A_1065 = arith.constant 7 : i32
      %get3A_1066 = arith.index_cast %get3A_1065 : i32 to index
      %get3A_1067 = arith.index_cast %add3A_1029 : i32 to index
      %get3A_1068 = tpu.vector_load %arg5[%get3A_1066, %get3A_1067] {strides = array<i32>} : memref<8x1024xf32, #tpu.memory_space<vmem>>, vector<1x16xf32>,
      %get3A_1069 = vector.shape_cast %get3A_1068 : vector<1x16xf32> to vector<16xf32>
      %max3A_1070 = arith.maximumf %get3A_1034, %get3A_1039 : vector<16xf32>
      %max3A_1071 = arith.maximumf %max3A_1070, %get3A_1044 : vector<16xf32>
      %max3A_1072 = arith.maximumf %max3A_1071, %get3A_1049 : vector<16xf32>
      %max3A_1073 = arith.maximumf %max3A_1072, %get3A_1054 : vector<16xf32>
      %max3A_1074 = arith.maximumf %max3A_1073, %get3A_1059 : vector<16xf32>
      %max3A_1075 = arith.maximumf %max3A_1074, %get3A_1064 : vector<16xf32>
      %max3A_1076 = arith.maximumf %max3A_1075, %get3A_1069 : vector<16xf32>
      %eq3A_1077 = arith.cmpf oeq, %get3A_1069, %max3A_1076 : vector<16xf32>
      %broadcast_in_dim3A_1078 = arith.constant 7 : i32
      %broadcast_in_dim3A_1079 = vector.broadcast %broadcast_in_dim3A_1078 : i32 to vector<16xi32>
      %select_n3A_1080 = arith.select %eq3A_1077, %broadcast_in_dim3A_1079, %broadcast_in_dim3A_3 : vector<16xi1>, vector<16xi32>
      %eq3A_1081 = arith.cmpf oeq, %get3A_1064, %max3A_1076 : vector<16xf32>
      %broadcast_in_dim3A_1082 = arith.constant 6 : i32
      %broadcast_in_dim3A_1083 = vector.broadcast %broadcast_in_dim3A_1082 : i32 to vector<16xi32>
      %select_n3A_1084 = arith.select %eq3A_1081, %broadcast_in_dim3A_1083, %select_n3A_1080 : vector<16xi1>, vector<16xi32>
      %eq3A_1085 = arith.cmpf oeq, %get3A_1059, %max3A_1076 : vector<16xf32>
      %broadcast_in_dim3A_1086 = arith.constant 5 : i32
      %broadcast_in_dim3A_1087 = vector.broadcast %broadcast_in_dim3A_1086 : i32 to vector<16xi32>
      %select_n3A_1088 = arith.select %eq3A_1085, %broadcast_in_dim3A_1087, %select_n3A_1084 : vector<16xi1>, vector<16xi32>
      %eq3A_1089 = arith.cmpf oeq, %get3A_1054, %max3A_1076 : vector<16xf32>
      %broadcast_in_dim3A_1090 = arith.constant 4 : i32
      %broadcast_in_dim3A_1091 = vector.broadcast %broadcast_in_dim3A_1090 : i32 to vector<16xi32>
      %select_n3A_1092 = arith.select %eq3A_1089, %broadcast_in_dim3A_1091, %select_n3A_1088 : vector<16xi1>, vector<16xi32>
      %eq3A_1093 = arith.cmpf oeq, %get3A_1049, %max3A_1076 : vector<16xf32>
      %broadcast_in_dim3A_1094 = arith.constant 3 : i32
      %broadcast_in_dim3A_1095 = vector.broadcast %broadcast_in_dim3A_1094 : i32 to vector<16xi32>
      %select_n3A_1096 = arith.select %eq3A_1093, %broadcast_in_dim3A_1095, %select_n3A_1092 : vector<16xi1>, vector<16xi32>
      %eq3A_1097 = arith.cmpf oeq, %get3A_1044, %max3A_1076 : vector<16xf32>
      %broadcast_in_dim3A_1098 = arith.constant 2 : i32
      %broadcast_in_dim3A_1099 = vector.broadcast %broadcast_in_dim3A_1098 : i32 to vector<16xi32>
      %select_n3A_1100 = arith.select %eq3A_1097, %broadcast_in_dim3A_1099, %select_n3A_1096 : vector<16xi1>, vector<16xi32>
      %eq3A_1101 = arith.cmpf oeq, %get3A_1039, %max3A_1076 : vector<16xf32>
      %broadcast_in_dim3A_1102 = arith.constant 1 : i32
      %broadcast_in_dim3A_1103 = vector.broadcast %broadcast_in_dim3A_1102 : i32 to vector<16xi32>
      %select_n3A_1104 = arith.select %eq3A_1101, %broadcast_in_dim3A_1103, %select_n3A_1100 : vector<16xi1>, vector<16xi32>
      %eq3A_1105 = arith.cmpf oeq, %get3A_1034, %max3A_1076 : vector<16xf32>
      %broadcast_in_dim3A_1106 = arith.constant 0 : i32
      %broadcast_in_dim3A_1107 = vector.broadcast %broadcast_in_dim3A_1106 : i32 to vector<16xi32>
      %select_n3A_1108 = arith.select %eq3A_1105, %broadcast_in_dim3A_1107, %select_n3A_1104 : vector<16xi1>, vector<16xi32>
      %eq3A_1109 = arith.constant 0 : i32
      %eq3A_1110 = vector.broadcast %eq3A_1109 : i32 to vector<16xi32>
      %eq3A_1111 = arith.cmpi eq, %select_n3A_1108, %eq3A_1110 : vector<16xi32>
      %jit3A_1112 = arith.constant 0xFF800000 : f32
      %broadcast_in_dim3A_1113 = vector.broadcast %jit3A_1112 : f32 to vector<16xf32>
      %select_n3A_1114 = arith.select %eq3A_1111, %broadcast_in_dim3A_1113, %get3A_1034 : vector<16xi1>, vector<16xf32>
      %eq3A_1115 = arith.constant 1 : i32
      %eq3A_1116 = vector.broadcast %eq3A_1115 : i32 to vector<16xi32>
      %eq3A_1117 = arith.cmpi eq, %select_n3A_1108, %eq3A_1116 : vector<16xi32>
      %jit3A_1118 = arith.constant 0xFF800000 : f32
      %broadcast_in_dim3A_1119 = vector.broadcast %jit3A_1118 : f32 to vector<16xf32>
      %select_n3A_1120 = arith.select %eq3A_1117, %broadcast_in_dim3A_1119, %get3A_1039 : vector<16xi1>, vector<16xf32>
      %eq3A_1121 = arith.constant 2 : i32
      %eq3A_1122 = vector.broadcast %eq3A_1121 : i32 to vector<16xi32>
      %eq3A_1123 = arith.cmpi eq, %select_n3A_1108, %eq3A_1122 : vector<16xi32>
      %jit3A_1124 = arith.constant 0xFF800000 : f32
      %broadcast_in_dim3A_1125 = vector.broadcast %jit3A_1124 : f32 to vector<16xf32>
      %select_n3A_1126 = arith.select %eq3A_1123, %broadcast_in_dim3A_1125, %get3A_1044 : vector<16xi1>, vector<16xf32>
      %eq3A_1127 = arith.constant 3 : i32
      %eq3A_1128 = vector.broadcast %eq3A_1127 : i32 to vector<16xi32>
      %eq3A_1129 = arith.cmpi eq, %select_n3A_1108, %eq3A_1128 : vector<16xi32>
      %jit3A_1130 = arith.constant 0xFF800000 : f32
      %broadcast_in_dim3A_1131 = vector.broadcast %jit3A_1130 : f32 to vector<16xf32>
      %select_n3A_1132 = arith.select %eq3A_1129, %broadcast_in_dim3A_1131, %get3A_1049 : vector<16xi1>, vector<16xf32>
      %eq3A_1133 = arith.constant 4 : i32
      %eq3A_1134 = vector.broadcast %eq3A_1133 : i32 to vector<16xi32>
      %eq3A_1135 = arith.cmpi eq, %select_n3A_1108, %eq3A_1134 : vector<16xi32>
      %jit3A_1136 = arith.constant 0xFF800000 : f32
      %broadcast_in_dim3A_1137 = vector.broadcast %jit3A_1136 : f32 to vector<16xf32>
      %select_n3A_1138 = arith.select %eq3A_1135, %broadcast_in_dim3A_1137, %get3A_1054 : vector<16xi1>, vector<16xf32>
      %eq3A_1139 = arith.constant 5 : i32
      %eq3A_1140 = vector.broadcast %eq3A_1139 : i32 to vector<16xi32>
      %eq3A_1141 = arith.cmpi eq, %select_n3A_1108, %eq3A_1140 : vector<16xi32>
      %jit3A_1142 = arith.constant 0xFF800000 : f32
      %broadcast_in_dim3A_1143 = vector.broadcast %jit3A_1142 : f32 to vector<16xf32>
      %select_n3A_1144 = arith.select %eq3A_1141, %broadcast_in_dim3A_1143, %get3A_1059 : vector<16xi1>, vector<16xf32>
      %eq3A_1145 = arith.constant 6 : i32
      %eq3A_1146 = vector.broadcast %eq3A_1145 : i32 to vector<16xi32>
      %eq3A_1147 = arith.cmpi eq, %select_n3A_1108, %eq3A_1146 : vector<16xi32>
      %jit3A_1148 = arith.constant 0xFF800000 : f32
      %broadcast_in_dim3A_1149 = vector.broadcast %jit3A_1148 : f32 to vector<16xf32>
      %select_n3A_1150 = arith.select %eq3A_1147, %broadcast_in_dim3A_1149, %get3A_1064 : vector<16xi1>, vector<16xf32>
      %eq3A_1151 = arith.constant 7 : i32
      %eq3A_1152 = vector.broadcast %eq3A_1151 : i32 to vector<16xi32>
      %eq3A_1153 = arith.cmpi eq, %select_n3A_1108, %eq3A_1152 : vector<16xi32>
      %jit3A_1154 = arith.constant 0xFF800000 : f32
      %broadcast_in_dim3A_1155 = vector.broadcast %jit3A_1154 : f32 to vector<16xf32>
      %select_n3A_1156 = arith.select %eq3A_1153, %broadcast_in_dim3A_1155, %get3A_1069 : vector<16xi1>, vector<16xf32>
      %max3A_1157 = arith.maximumf %select_n3A_1114, %select_n3A_1120 : vector<16xf32>
      %max3A_1158 = arith.maximumf %max3A_1157, %select_n3A_1126 : vector<16xf32>
      %max3A_1159 = arith.maximumf %max3A_1158, %select_n3A_1132 : vector<16xf32>
      %max3A_1160 = arith.maximumf %max3A_1159, %select_n3A_1138 : vector<16xf32>
      %max3A_1161 = arith.maximumf %max3A_1160, %select_n3A_1144 : vector<16xf32>
      %max3A_1162 = arith.maximumf %max3A_1161, %select_n3A_1150 : vector<16xf32>
      %max3A_1163 = arith.maximumf %max3A_1162, %select_n3A_1156 : vector<16xf32>
      %eq3A_1164 = arith.cmpf oeq, %select_n3A_1156, %max3A_1163 : vector<16xf32>
      %broadcast_in_dim3A_1165 = arith.constant 7 : i32
      %broadcast_in_dim3A_1166 = vector.broadcast %broadcast_in_dim3A_1165 : i32 to vector<16xi32>
      %select_n3A_1167 = arith.select %eq3A_1164, %broadcast_in_dim3A_1166, %broadcast_in_dim3A_3 : vector<16xi1>, vector<16xi32>
      %eq3A_1168 = arith.cmpf oeq, %select_n3A_1150, %max3A_1163 : vector<16xf32>
      %broadcast_in_dim3A_1169 = arith.constant 6 : i32
      %broadcast_in_dim3A_1170 = vector.broadcast %broadcast_in_dim3A_1169 : i32 to vector<16xi32>
      %select_n3A_1171 = arith.select %eq3A_1168, %broadcast_in_dim3A_1170, %select_n3A_1167 : vector<16xi1>, vector<16xi32>
      %eq3A_1172 = arith.cmpf oeq, %select_n3A_1144, %max3A_1163 : vector<16xf32>
      %broadcast_in_dim3A_1173 = arith.constant 5 : i32
      %broadcast_in_dim3A_1174 = vector.broadcast %broadcast_in_dim3A_1173 : i32 to vector<16xi32>
      %select_n3A_1175 = arith.select %eq3A_1172, %broadcast_in_dim3A_1174, %select_n3A_1171 : vector<16xi1>, vector<16xi32>
      %eq3A_1176 = arith.cmpf oeq, %select_n3A_1138, %max3A_1163 : vector<16xf32>
      %broadcast_in_dim3A_1177 = arith.constant 4 : i32
      %broadcast_in_dim3A_1178 = vector.broadcast %broadcast_in_dim3A_1177 : i32 to vector<16xi32>
      %select_n3A_1179 = arith.select %eq3A_1176, %broadcast_in_dim3A_1178, %select_n3A_1175 : vector<16xi1>, vector<16xi32>
      %eq3A_1180 = arith.cmpf oeq, %select_n3A_1132, %max3A_1163 : vector<16xf32>
      %broadcast_in_dim3A_1181 = arith.constant 3 : i32
      %broadcast_in_dim3A_1182 = vector.broadcast %broadcast_in_dim3A_1181 : i32 to vector<16xi32>
      %select_n3A_1183 = arith.select %eq3A_1180, %broadcast_in_dim3A_1182, %select_n3A_1179 : vector<16xi1>, vector<16xi32>
      %eq3A_1184 = arith.cmpf oeq, %select_n3A_1126, %max3A_1163 : vector<16xf32>
      %broadcast_in_dim3A_1185 = arith.constant 2 : i32
      %broadcast_in_dim3A_1186 = vector.broadcast %broadcast_in_dim3A_1185 : i32 to vector<16xi32>
      %select_n3A_1187 = arith.select %eq3A_1184, %broadcast_in_dim3A_1186, %select_n3A_1183 : vector<16xi1>, vector<16xi32>
      %eq3A_1188 = arith.cmpf oeq, %select_n3A_1120, %max3A_1163 : vector<16xf32>
      %broadcast_in_dim3A_1189 = arith.constant 1 : i32
      %broadcast_in_dim3A_1190 = vector.broadcast %broadcast_in_dim3A_1189 : i32 to vector<16xi32>
      %select_n3A_1191 = arith.select %eq3A_1188, %broadcast_in_dim3A_1190, %select_n3A_1187 : vector<16xi1>, vector<16xi32>
      %eq3A_1192 = arith.cmpf oeq, %select_n3A_1114, %max3A_1163 : vector<16xf32>
      %broadcast_in_dim3A_1193 = arith.constant 0 : i32
      %broadcast_in_dim3A_1194 = vector.broadcast %broadcast_in_dim3A_1193 : i32 to vector<16xi32>
      %select_n3A_1195 = arith.select %eq3A_1192, %broadcast_in_dim3A_1194, %select_n3A_1191 : vector<16xi1>, vector<16xi32>
      %sub3A_1196 = arith.subf %max3A_1163, %max3A_1076 : vector<16xf32>
      %exp3A_1197 = math.exp %sub3A_1196 : vector<16xf32>
      %add3A_1198 = arith.constant 1.000000e+00 : f32
      %add3A_1199 = vector.broadcast %add3A_1198 : f32 to vector<16xf32>
      %add3A_1200 = arith.addf %add3A_1199, %exp3A_1197 : vector<16xf32>
      %div3A_1201 = arith.constant 1.000000e+00 : f32
      %div3A_1202 = vector.broadcast %div3A_1201 : f32 to vector<16xf32>
      %div3A_1203 = arith.divf %div3A_1202, %add3A_1200 : vector<16xf32>
      %mul3A_1204 = arith.mulf %exp3A_1197, %div3A_1203 : vector<16xf32>
      %swap3A_1205 = arith.constant 0 : i32
      %swap3A_1206 = arith.index_cast %swap3A_1205 : i32 to index
      %swap3A_1207 = arith.index_cast %add3A_1029 : i32 to index
      %swap3A_1208 = tpu.vector_load %arg6[%swap3A_1206, %swap3A_1207] {strides = array<i32>} : memref<2x1024xf32, #tpu.memory_space<vmem>>, vector<1x16xf32>,
      %swap3A_1209 = vector.shape_cast %swap3A_1208 : vector<1x16xf32> to vector<16xf32>
      %swap3A_1210 = vector.shape_cast %div3A_1203 : vector<16xf32> to vector<1x16xf32>
      tpu.vector_store %arg6[%swap3A_1206, %swap3A_1207], %swap3A_1210 {strides = array<i32>} : memref<2x1024xf32, #tpu.memory_space<vmem>>, vector<1x16xf32>,
      %swap3A_1211 = arith.constant 1 : i32
      %swap3A_1212 = arith.index_cast %swap3A_1211 : i32 to index
      %swap3A_1213 = arith.index_cast %add3A_1029 : i32 to index
      %swap3A_1214 = tpu.vector_load %arg6[%swap3A_1212, %swap3A_1213] {strides = array<i32>} : memref<2x1024xf32, #tpu.memory_space<vmem>>, vector<1x16xf32>,
      %swap3A_1215 = vector.shape_cast %swap3A_1214 : vector<1x16xf32> to vector<16xf32>
      %swap3A_1216 = vector.shape_cast %mul3A_1204 : vector<16xf32> to vector<1x16xf32>
      tpu.vector_store %arg6[%swap3A_1212, %swap3A_1213], %swap3A_1216 {strides = array<i32>} : memref<2x1024xf32, #tpu.memory_space<vmem>>, vector<1x16xf32>,
      %swap3A_1217 = arith.constant 0 : i32
      %swap3A_1218 = arith.index_cast %swap3A_1217 : i32 to index
      %swap3A_1219 = arith.index_cast %add3A_1029 : i32 to index
      %swap3A_1220 = tpu.vector_load %arg7[%swap3A_1218, %swap3A_1219] {strides = array<i32>} : memref<2x1024xi32, #tpu.memory_space<vmem>>, vector<1x16xi32>,
      %swap3A_1221 = vector.shape_cast %swap3A_1220 : vector<1x16xi32> to vector<16xi32>
      %swap3A_1222 = vector.shape_cast %select_n3A_1108 : vector<16xi32> to vector<1x16xi32>
      tpu.vector_store %arg7[%swap3A_1218, %swap3A_1219], %swap3A_1222 {strides = array<i32>} : memref<2x1024xi32, #tpu.memory_space<vmem>>, vector<1x16xi32>,
      %swap3A_1223 = arith.constant 1 : i32
      %swap3A_1224 = arith.index_cast %swap3A_1223 : i32 to index
      %swap3A_1225 = arith.index_cast %add3A_1029 : i32 to index
      %swap3A_1226 = tpu.vector_load %arg7[%swap3A_1224, %swap3A_1225] {strides = array<i32>} : memref<2x1024xi32, #tpu.memory_space<vmem>>, vector<1x16xi32>,
      %swap3A_1227 = vector.shape_cast %swap3A_1226 : vector<1x16xi32> to vector<16xi32>
      %swap3A_1228 = vector.shape_cast %select_n3A_1195 : vector<16xi32> to vector<1x16xi32>
      tpu.vector_store %arg7[%swap3A_1224, %swap3A_1225], %swap3A_1228 {strides = array<i32>} : memref<2x1024xi32, #tpu.memory_space<vmem>>, vector<1x16xi32>,
      %add3A_1229 = arith.constant 96 : i32
      %add3A_1230 = arith.addi %mul3A_31, %add3A_1229 : i32
      %get3A_1231 = arith.constant 0 : i32
      %get3A_1232 = arith.index_cast %get3A_1231 : i32 to index
      %get3A_1233 = arith.index_cast %add3A_1230 : i32 to index
      %get3A_1234 = tpu.vector_load %arg5[%get3A_1232, %get3A_1233] {strides = array<i32>} : memref<8x1024xf32, #tpu.memory_space<vmem>>, vector<1x16xf32>,
      %get3A_1235 = vector.shape_cast %get3A_1234 : vector<1x16xf32> to vector<16xf32>
      %get3A_1236 = arith.constant 1 : i32
      %get3A_1237 = arith.index_cast %get3A_1236 : i32 to index
      %get3A_1238 = arith.index_cast %add3A_1230 : i32 to index
      %get3A_1239 = tpu.vector_load %arg5[%get3A_1237, %get3A_1238] {strides = array<i32>} : memref<8x1024xf32, #tpu.memory_space<vmem>>, vector<1x16xf32>,
      %get3A_1240 = vector.shape_cast %get3A_1239 : vector<1x16xf32> to vector<16xf32>
      %get3A_1241 = arith.constant 2 : i32
      %get3A_1242 = arith.index_cast %get3A_1241 : i32 to index
      %get3A_1243 = arith.index_cast %add3A_1230 : i32 to index
      %get3A_1244 = tpu.vector_load %arg5[%get3A_1242, %get3A_1243] {strides = array<i32>} : memref<8x1024xf32, #tpu.memory_space<vmem>>, vector<1x16xf32>,
      %get3A_1245 = vector.shape_cast %get3A_1244 : vector<1x16xf32> to vector<16xf32>
      %get3A_1246 = arith.constant 3 : i32
      %get3A_1247 = arith.index_cast %get3A_1246 : i32 to index
      %get3A_1248 = arith.index_cast %add3A_1230 : i32 to index
      %get3A_1249 = tpu.vector_load %arg5[%get3A_1247, %get3A_1248] {strides = array<i32>} : memref<8x1024xf32, #tpu.memory_space<vmem>>, vector<1x16xf32>,
      %get3A_1250 = vector.shape_cast %get3A_1249 : vector<1x16xf32> to vector<16xf32>
      %get3A_1251 = arith.constant 4 : i32
      %get3A_1252 = arith.index_cast %get3A_1251 : i32 to index
      %get3A_1253 = arith.index_cast %add3A_1230 : i32 to index
      %get3A_1254 = tpu.vector_load %arg5[%get3A_1252, %get3A_1253] {strides = array<i32>} : memref<8x1024xf32, #tpu.memory_space<vmem>>, vector<1x16xf32>,
      %get3A_1255 = vector.shape_cast %get3A_1254 : vector<1x16xf32> to vector<16xf32>
      %get3A_1256 = arith.constant 5 : i32
      %get3A_1257 = arith.index_cast %get3A_1256 : i32 to index
      %get3A_1258 = arith.index_cast %add3A_1230 : i32 to index
      %get3A_1259 = tpu.vector_load %arg5[%get3A_1257, %get3A_1258] {strides = array<i32>} : memref<8x1024xf32, #tpu.memory_space<vmem>>, vector<1x16xf32>,
      %get3A_1260 = vector.shape_cast %get3A_1259 : vector<1x16xf32> to vector<16xf32>
      %get3A_1261 = arith.constant 6 : i32
      %get3A_1262 = arith.index_cast %get3A_1261 : i32 to index
      %get3A_1263 = arith.index_cast %add3A_1230 : i32 to index
      %get3A_1264 = tpu.vector_load %arg5[%get3A_1262, %get3A_1263] {strides = array<i32>} : memref<8x1024xf32, #tpu.memory_space<vmem>>, vector<1x16xf32>,
      %get3A_1265 = vector.shape_cast %get3A_1264 : vector<1x16xf32> to vector<16xf32>
      %get3A_1266 = arith.constant 7 : i32
      %get3A_1267 = arith.index_cast %get3A_1266 : i32 to index
      %get3A_1268 = arith.index_cast %add3A_1230 : i32 to index
      %get3A_1269 = tpu.vector_load %arg5[%get3A_1267, %get3A_1268] {strides = array<i32>} : memref<8x1024xf32, #tpu.memory_space<vmem>>, vector<1x16xf32>,
      %get3A_1270 = vector.shape_cast %get3A_1269 : vector<1x16xf32> to vector<16xf32>
      %max3A_1271 = arith.maximumf %get3A_1235, %get3A_1240 : vector<16xf32>
      %max3A_1272 = arith.maximumf %max3A_1271, %get3A_1245 : vector<16xf32>
      %max3A_1273 = arith.maximumf %max3A_1272, %get3A_1250 : vector<16xf32>
      %max3A_1274 = arith.maximumf %max3A_1273, %get3A_1255 : vector<16xf32>
      %max3A_1275 = arith.maximumf %max3A_1274, %get3A_1260 : vector<16xf32>
      %max3A_1276 = arith.maximumf %max3A_1275, %get3A_1265 : vector<16xf32>
      %max3A_1277 = arith.maximumf %max3A_1276, %get3A_1270 : vector<16xf32>
      %eq3A_1278 = arith.cmpf oeq, %get3A_1270, %max3A_1277 : vector<16xf32>
      %broadcast_in_dim3A_1279 = arith.constant 7 : i32
      %broadcast_in_dim3A_1280 = vector.broadcast %broadcast_in_dim3A_1279 : i32 to vector<16xi32>
      %select_n3A_1281 = arith.select %eq3A_1278, %broadcast_in_dim3A_1280, %broadcast_in_dim3A_3 : vector<16xi1>, vector<16xi32>
      %eq3A_1282 = arith.cmpf oeq, %get3A_1265, %max3A_1277 : vector<16xf32>
      %broadcast_in_dim3A_1283 = arith.constant 6 : i32
      %broadcast_in_dim3A_1284 = vector.broadcast %broadcast_in_dim3A_1283 : i32 to vector<16xi32>
      %select_n3A_1285 = arith.select %eq3A_1282, %broadcast_in_dim3A_1284, %select_n3A_1281 : vector<16xi1>, vector<16xi32>
      %eq3A_1286 = arith.cmpf oeq, %get3A_1260, %max3A_1277 : vector<16xf32>
      %broadcast_in_dim3A_1287 = arith.constant 5 : i32
      %broadcast_in_dim3A_1288 = vector.broadcast %broadcast_in_dim3A_1287 : i32 to vector<16xi32>
      %select_n3A_1289 = arith.select %eq3A_1286, %broadcast_in_dim3A_1288, %select_n3A_1285 : vector<16xi1>, vector<16xi32>
      %eq3A_1290 = arith.cmpf oeq, %get3A_1255, %max3A_1277 : vector<16xf32>
      %broadcast_in_dim3A_1291 = arith.constant 4 : i32
      %broadcast_in_dim3A_1292 = vector.broadcast %broadcast_in_dim3A_1291 : i32 to vector<16xi32>
      %select_n3A_1293 = arith.select %eq3A_1290, %broadcast_in_dim3A_1292, %select_n3A_1289 : vector<16xi1>, vector<16xi32>
      %eq3A_1294 = arith.cmpf oeq, %get3A_1250, %max3A_1277 : vector<16xf32>
      %broadcast_in_dim3A_1295 = arith.constant 3 : i32
      %broadcast_in_dim3A_1296 = vector.broadcast %broadcast_in_dim3A_1295 : i32 to vector<16xi32>
      %select_n3A_1297 = arith.select %eq3A_1294, %broadcast_in_dim3A_1296, %select_n3A_1293 : vector<16xi1>, vector<16xi32>
      %eq3A_1298 = arith.cmpf oeq, %get3A_1245, %max3A_1277 : vector<16xf32>
      %broadcast_in_dim3A_1299 = arith.constant 2 : i32
      %broadcast_in_dim3A_1300 = vector.broadcast %broadcast_in_dim3A_1299 : i32 to vector<16xi32>
      %select_n3A_1301 = arith.select %eq3A_1298, %broadcast_in_dim3A_1300, %select_n3A_1297 : vector<16xi1>, vector<16xi32>
      %eq3A_1302 = arith.cmpf oeq, %get3A_1240, %max3A_1277 : vector<16xf32>
      %broadcast_in_dim3A_1303 = arith.constant 1 : i32
      %broadcast_in_dim3A_1304 = vector.broadcast %broadcast_in_dim3A_1303 : i32 to vector<16xi32>
      %select_n3A_1305 = arith.select %eq3A_1302, %broadcast_in_dim3A_1304, %select_n3A_1301 : vector<16xi1>, vector<16xi32>
      %eq3A_1306 = arith.cmpf oeq, %get3A_1235, %max3A_1277 : vector<16xf32>
      %broadcast_in_dim3A_1307 = arith.constant 0 : i32
      %broadcast_in_dim3A_1308 = vector.broadcast %broadcast_in_dim3A_1307 : i32 to vector<16xi32>
      %select_n3A_1309 = arith.select %eq3A_1306, %broadcast_in_dim3A_1308, %select_n3A_1305 : vector<16xi1>, vector<16xi32>
      %eq3A_1310 = arith.constant 0 : i32
      %eq3A_1311 = vector.broadcast %eq3A_1310 : i32 to vector<16xi32>
      %eq3A_1312 = arith.cmpi eq, %select_n3A_1309, %eq3A_1311 : vector<16xi32>
      %jit3A_1313 = arith.constant 0xFF800000 : f32
      %broadcast_in_dim3A_1314 = vector.broadcast %jit3A_1313 : f32 to vector<16xf32>
      %select_n3A_1315 = arith.select %eq3A_1312, %broadcast_in_dim3A_1314, %get3A_1235 : vector<16xi1>, vector<16xf32>
      %eq3A_1316 = arith.constant 1 : i32
      %eq3A_1317 = vector.broadcast %eq3A_1316 : i32 to vector<16xi32>
      %eq3A_1318 = arith.cmpi eq, %select_n3A_1309, %eq3A_1317 : vector<16xi32>
      %jit3A_1319 = arith.constant 0xFF800000 : f32
      %broadcast_in_dim3A_1320 = vector.broadcast %jit3A_1319 : f32 to vector<16xf32>
      %select_n3A_1321 = arith.select %eq3A_1318, %broadcast_in_dim3A_1320, %get3A_1240 : vector<16xi1>, vector<16xf32>
      %eq3A_1322 = arith.constant 2 : i32
      %eq3A_1323 = vector.broadcast %eq3A_1322 : i32 to vector<16xi32>
      %eq3A_1324 = arith.cmpi eq, %select_n3A_1309, %eq3A_1323 : vector<16xi32>
      %jit3A_1325 = arith.constant 0xFF800000 : f32
      %broadcast_in_dim3A_1326 = vector.broadcast %jit3A_1325 : f32 to vector<16xf32>
      %select_n3A_1327 = arith.select %eq3A_1324, %broadcast_in_dim3A_1326, %get3A_1245 : vector<16xi1>, vector<16xf32>
      %eq3A_1328 = arith.constant 3 : i32
      %eq3A_1329 = vector.broadcast %eq3A_1328 : i32 to vector<16xi32>
      %eq3A_1330 = arith.cmpi eq, %select_n3A_1309, %eq3A_1329 : vector<16xi32>
      %jit3A_1331 = arith.constant 0xFF800000 : f32
      %broadcast_in_dim3A_1332 = vector.broadcast %jit3A_1331 : f32 to vector<16xf32>
      %select_n3A_1333 = arith.select %eq3A_1330, %broadcast_in_dim3A_1332, %get3A_1250 : vector<16xi1>, vector<16xf32>
      %eq3A_1334 = arith.constant 4 : i32
      %eq3A_1335 = vector.broadcast %eq3A_1334 : i32 to vector<16xi32>
      %eq3A_1336 = arith.cmpi eq, %select_n3A_1309, %eq3A_1335 : vector<16xi32>
      %jit3A_1337 = arith.constant 0xFF800000 : f32
      %broadcast_in_dim3A_1338 = vector.broadcast %jit3A_1337 : f32 to vector<16xf32>
      %select_n3A_1339 = arith.select %eq3A_1336, %broadcast_in_dim3A_1338, %get3A_1255 : vector<16xi1>, vector<16xf32>
      %eq3A_1340 = arith.constant 5 : i32
      %eq3A_1341 = vector.broadcast %eq3A_1340 : i32 to vector<16xi32>
      %eq3A_1342 = arith.cmpi eq, %select_n3A_1309, %eq3A_1341 : vector<16xi32>
      %jit3A_1343 = arith.constant 0xFF800000 : f32
      %broadcast_in_dim3A_1344 = vector.broadcast %jit3A_1343 : f32 to vector<16xf32>
      %select_n3A_1345 = arith.select %eq3A_1342, %broadcast_in_dim3A_1344, %get3A_1260 : vector<16xi1>, vector<16xf32>
      %eq3A_1346 = arith.constant 6 : i32
      %eq3A_1347 = vector.broadcast %eq3A_1346 : i32 to vector<16xi32>
      %eq3A_1348 = arith.cmpi eq, %select_n3A_1309, %eq3A_1347 : vector<16xi32>
      %jit3A_1349 = arith.constant 0xFF800000 : f32
      %broadcast_in_dim3A_1350 = vector.broadcast %jit3A_1349 : f32 to vector<16xf32>
      %select_n3A_1351 = arith.select %eq3A_1348, %broadcast_in_dim3A_1350, %get3A_1265 : vector<16xi1>, vector<16xf32>
      %eq3A_1352 = arith.constant 7 : i32
      %eq3A_1353 = vector.broadcast %eq3A_1352 : i32 to vector<16xi32>
      %eq3A_1354 = arith.cmpi eq, %select_n3A_1309, %eq3A_1353 : vector<16xi32>
      %jit3A_1355 = arith.constant 0xFF800000 : f32
      %broadcast_in_dim3A_1356 = vector.broadcast %jit3A_1355 : f32 to vector<16xf32>
      %select_n3A_1357 = arith.select %eq3A_1354, %broadcast_in_dim3A_1356, %get3A_1270 : vector<16xi1>, vector<16xf32>
      %max3A_1358 = arith.maximumf %select_n3A_1315, %select_n3A_1321 : vector<16xf32>
      %max3A_1359 = arith.maximumf %max3A_1358, %select_n3A_1327 : vector<16xf32>
      %max3A_1360 = arith.maximumf %max3A_1359, %select_n3A_1333 : vector<16xf32>
      %max3A_1361 = arith.maximumf %max3A_1360, %select_n3A_1339 : vector<16xf32>
      %max3A_1362 = arith.maximumf %max3A_1361, %select_n3A_1345 : vector<16xf32>
      %max3A_1363 = arith.maximumf %max3A_1362, %select_n3A_1351 : vector<16xf32>
      %max3A_1364 = arith.maximumf %max3A_1363, %select_n3A_1357 : vector<16xf32>
      %eq3A_1365 = arith.cmpf oeq, %select_n3A_1357, %max3A_1364 : vector<16xf32>
      %broadcast_in_dim3A_1366 = arith.constant 7 : i32
      %broadcast_in_dim3A_1367 = vector.broadcast %broadcast_in_dim3A_1366 : i32 to vector<16xi32>
      %select_n3A_1368 = arith.select %eq3A_1365, %broadcast_in_dim3A_1367, %broadcast_in_dim3A_3 : vector<16xi1>, vector<16xi32>
      %eq3A_1369 = arith.cmpf oeq, %select_n3A_1351, %max3A_1364 : vector<16xf32>
      %broadcast_in_dim3A_1370 = arith.constant 6 : i32
      %broadcast_in_dim3A_1371 = vector.broadcast %broadcast_in_dim3A_1370 : i32 to vector<16xi32>
      %select_n3A_1372 = arith.select %eq3A_1369, %broadcast_in_dim3A_1371, %select_n3A_1368 : vector<16xi1>, vector<16xi32>
      %eq3A_1373 = arith.cmpf oeq, %select_n3A_1345, %max3A_1364 : vector<16xf32>
      %broadcast_in_dim3A_1374 = arith.constant 5 : i32
      %broadcast_in_dim3A_1375 = vector.broadcast %broadcast_in_dim3A_1374 : i32 to vector<16xi32>
      %select_n3A_1376 = arith.select %eq3A_1373, %broadcast_in_dim3A_1375, %select_n3A_1372 : vector<16xi1>, vector<16xi32>
      %eq3A_1377 = arith.cmpf oeq, %select_n3A_1339, %max3A_1364 : vector<16xf32>
      %broadcast_in_dim3A_1378 = arith.constant 4 : i32
      %broadcast_in_dim3A_1379 = vector.broadcast %broadcast_in_dim3A_1378 : i32 to vector<16xi32>
      %select_n3A_1380 = arith.select %eq3A_1377, %broadcast_in_dim3A_1379, %select_n3A_1376 : vector<16xi1>, vector<16xi32>
      %eq3A_1381 = arith.cmpf oeq, %select_n3A_1333, %max3A_1364 : vector<16xf32>
      %broadcast_in_dim3A_1382 = arith.constant 3 : i32
      %broadcast_in_dim3A_1383 = vector.broadcast %broadcast_in_dim3A_1382 : i32 to vector<16xi32>
      %select_n3A_1384 = arith.select %eq3A_1381, %broadcast_in_dim3A_1383, %select_n3A_1380 : vector<16xi1>, vector<16xi32>
      %eq3A_1385 = arith.cmpf oeq, %select_n3A_1327, %max3A_1364 : vector<16xf32>
      %broadcast_in_dim3A_1386 = arith.constant 2 : i32
      %broadcast_in_dim3A_1387 = vector.broadcast %broadcast_in_dim3A_1386 : i32 to vector<16xi32>
      %select_n3A_1388 = arith.select %eq3A_1385, %broadcast_in_dim3A_1387, %select_n3A_1384 : vector<16xi1>, vector<16xi32>
      %eq3A_1389 = arith.cmpf oeq, %select_n3A_1321, %max3A_1364 : vector<16xf32>
      %broadcast_in_dim3A_1390 = arith.constant 1 : i32
      %broadcast_in_dim3A_1391 = vector.broadcast %broadcast_in_dim3A_1390 : i32 to vector<16xi32>
      %select_n3A_1392 = arith.select %eq3A_1389, %broadcast_in_dim3A_1391, %select_n3A_1388 : vector<16xi1>, vector<16xi32>
      %eq3A_1393 = arith.cmpf oeq, %select_n3A_1315, %max3A_1364 : vector<16xf32>
      %broadcast_in_dim3A_1394 = arith.constant 0 : i32
      %broadcast_in_dim3A_1395 = vector.broadcast %broadcast_in_dim3A_1394 : i32 to vector<16xi32>
      %select_n3A_1396 = arith.select %eq3A_1393, %broadcast_in_dim3A_1395, %select_n3A_1392 : vector<16xi1>, vector<16xi32>
      %sub3A_1397 = arith.subf %max3A_1364, %max3A_1277 : vector<16xf32>
      %exp3A_1398 = math.exp %sub3A_1397 : vector<16xf32>
      %add3A_1399 = arith.constant 1.000000e+00 : f32
      %add3A_1400 = vector.broadcast %add3A_1399 : f32 to vector<16xf32>
      %add3A_1401 = arith.addf %add3A_1400, %exp3A_1398 : vector<16xf32>
      %div3A_1402 = arith.constant 1.000000e+00 : f32
      %div3A_1403 = vector.broadcast %div3A_1402 : f32 to vector<16xf32>
      %div3A_1404 = arith.divf %div3A_1403, %add3A_1401 : vector<16xf32>
      %mul3A_1405 = arith.mulf %exp3A_1398, %div3A_1404 : vector<16xf32>
      %swap3A_1406 = arith.constant 0 : i32
      %swap3A_1407 = arith.index_cast %swap3A_1406 : i32 to index
      %swap3A_1408 = arith.index_cast %add3A_1230 : i32 to index
      %swap3A_1409 = tpu.vector_load %arg6[%swap3A_1407, %swap3A_1408] {strides = array<i32>} : memref<2x1024xf32, #tpu.memory_space<vmem>>, vector<1x16xf32>,
      %swap3A_1410 = vector.shape_cast %swap3A_1409 : vector<1x16xf32> to vector<16xf32>
      %swap3A_1411 = vector.shape_cast %div3A_1404 : vector<16xf32> to vector<1x16xf32>
      tpu.vector_store %arg6[%swap3A_1407, %swap3A_1408], %swap3A_1411 {strides = array<i32>} : memref<2x1024xf32, #tpu.memory_space<vmem>>, vector<1x16xf32>,
      %swap3A_1412 = arith.constant 1 : i32
      %swap3A_1413 = arith.index_cast %swap3A_1412 : i32 to index
      %swap3A_1414 = arith.index_cast %add3A_1230 : i32 to index
      %swap3A_1415 = tpu.vector_load %arg6[%swap3A_1413, %swap3A_1414] {strides = array<i32>} : memref<2x1024xf32, #tpu.memory_space<vmem>>, vector<1x16xf32>,
      %swap3A_1416 = vector.shape_cast %swap3A_1415 : vector<1x16xf32> to vector<16xf32>
      %swap3A_1417 = vector.shape_cast %mul3A_1405 : vector<16xf32> to vector<1x16xf32>
      tpu.vector_store %arg6[%swap3A_1413, %swap3A_1414], %swap3A_1417 {strides = array<i32>} : memref<2x1024xf32, #tpu.memory_space<vmem>>, vector<1x16xf32>,
      %swap3A_1418 = arith.constant 0 : i32
      %swap3A_1419 = arith.index_cast %swap3A_1418 : i32 to index
      %swap3A_1420 = arith.index_cast %add3A_1230 : i32 to index
      %swap3A_1421 = tpu.vector_load %arg7[%swap3A_1419, %swap3A_1420] {strides = array<i32>} : memref<2x1024xi32, #tpu.memory_space<vmem>>, vector<1x16xi32>,
      %swap3A_1422 = vector.shape_cast %swap3A_1421 : vector<1x16xi32> to vector<16xi32>
      %swap3A_1423 = vector.shape_cast %select_n3A_1309 : vector<16xi32> to vector<1x16xi32>
      tpu.vector_store %arg7[%swap3A_1419, %swap3A_1420], %swap3A_1423 {strides = array<i32>} : memref<2x1024xi32, #tpu.memory_space<vmem>>, vector<1x16xi32>,
      %swap3A_1424 = arith.constant 1 : i32
      %swap3A_1425 = arith.index_cast %swap3A_1424 : i32 to index
      %swap3A_1426 = arith.index_cast %add3A_1230 : i32 to index
      %swap3A_1427 = tpu.vector_load %arg7[%swap3A_1425, %swap3A_1426] {strides = array<i32>} : memref<2x1024xi32, #tpu.memory_space<vmem>>, vector<1x16xi32>,
      %swap3A_1428 = vector.shape_cast %swap3A_1427 : vector<1x16xi32> to vector<16xi32>
      %swap3A_1429 = vector.shape_cast %select_n3A_1396 : vector<16xi32> to vector<1x16xi32>
      tpu.vector_store %arg7[%swap3A_1425, %swap3A_1426], %swap3A_1429 {strides = array<i32>} : memref<2x1024xi32, #tpu.memory_space<vmem>>, vector<1x16xi32>,
      %add3A_1430 = arith.constant 112 : i32
      %add3A_1431 = arith.addi %mul3A_31, %add3A_1430 : i32
      %get3A_1432 = arith.constant 0 : i32
      %get3A_1433 = arith.index_cast %get3A_1432 : i32 to index
      %get3A_1434 = arith.index_cast %add3A_1431 : i32 to index
      %get3A_1435 = tpu.vector_load %arg5[%get3A_1433, %get3A_1434] {strides = array<i32>} : memref<8x1024xf32, #tpu.memory_space<vmem>>, vector<1x16xf32>,
      %get3A_1436 = vector.shape_cast %get3A_1435 : vector<1x16xf32> to vector<16xf32>
      %get3A_1437 = arith.constant 1 : i32
      %get3A_1438 = arith.index_cast %get3A_1437 : i32 to index
      %get3A_1439 = arith.index_cast %add3A_1431 : i32 to index
      %get3A_1440 = tpu.vector_load %arg5[%get3A_1438, %get3A_1439] {strides = array<i32>} : memref<8x1024xf32, #tpu.memory_space<vmem>>, vector<1x16xf32>,
      %get3A_1441 = vector.shape_cast %get3A_1440 : vector<1x16xf32> to vector<16xf32>
      %get3A_1442 = arith.constant 2 : i32
      %get3A_1443 = arith.index_cast %get3A_1442 : i32 to index
      %get3A_1444 = arith.index_cast %add3A_1431 : i32 to index
      %get3A_1445 = tpu.vector_load %arg5[%get3A_1443, %get3A_1444] {strides = array<i32>} : memref<8x1024xf32, #tpu.memory_space<vmem>>, vector<1x16xf32>,
      %get3A_1446 = vector.shape_cast %get3A_1445 : vector<1x16xf32> to vector<16xf32>
      %get3A_1447 = arith.constant 3 : i32
      %get3A_1448 = arith.index_cast %get3A_1447 : i32 to index
      %get3A_1449 = arith.index_cast %add3A_1431 : i32 to index
      %get3A_1450 = tpu.vector_load %arg5[%get3A_1448, %get3A_1449] {strides = array<i32>} : memref<8x1024xf32, #tpu.memory_space<vmem>>, vector<1x16xf32>,
      %get3A_1451 = vector.shape_cast %get3A_1450 : vector<1x16xf32> to vector<16xf32>
      %get3A_1452 = arith.constant 4 : i32
      %get3A_1453 = arith.index_cast %get3A_1452 : i32 to index
      %get3A_1454 = arith.index_cast %add3A_1431 : i32 to index
      %get3A_1455 = tpu.vector_load %arg5[%get3A_1453, %get3A_1454] {strides = array<i32>} : memref<8x1024xf32, #tpu.memory_space<vmem>>, vector<1x16xf32>,
      %get3A_1456 = vector.shape_cast %get3A_1455 : vector<1x16xf32> to vector<16xf32>
      %get3A_1457 = arith.constant 5 : i32
      %get3A_1458 = arith.index_cast %get3A_1457 : i32 to index
      %get3A_1459 = arith.index_cast %add3A_1431 : i32 to index
      %get3A_1460 = tpu.vector_load %arg5[%get3A_1458, %get3A_1459] {strides = array<i32>} : memref<8x1024xf32, #tpu.memory_space<vmem>>, vector<1x16xf32>,
      %get3A_1461 = vector.shape_cast %get3A_1460 : vector<1x16xf32> to vector<16xf32>
      %get3A_1462 = arith.constant 6 : i32
      %get3A_1463 = arith.index_cast %get3A_1462 : i32 to index
      %get3A_1464 = arith.index_cast %add3A_1431 : i32 to index
      %get3A_1465 = tpu.vector_load %arg5[%get3A_1463, %get3A_1464] {strides = array<i32>} : memref<8x1024xf32, #tpu.memory_space<vmem>>, vector<1x16xf32>,
      %get3A_1466 = vector.shape_cast %get3A_1465 : vector<1x16xf32> to vector<16xf32>
      %get3A_1467 = arith.constant 7 : i32
      %get3A_1468 = arith.index_cast %get3A_1467 : i32 to index
      %get3A_1469 = arith.index_cast %add3A_1431 : i32 to index
      %get3A_1470 = tpu.vector_load %arg5[%get3A_1468, %get3A_1469] {strides = array<i32>} : memref<8x1024xf32, #tpu.memory_space<vmem>>, vector<1x16xf32>,
      %get3A_1471 = vector.shape_cast %get3A_1470 : vector<1x16xf32> to vector<16xf32>
      %max3A_1472 = arith.maximumf %get3A_1436, %get3A_1441 : vector<16xf32>
      %max3A_1473 = arith.maximumf %max3A_1472, %get3A_1446 : vector<16xf32>
      %max3A_1474 = arith.maximumf %max3A_1473, %get3A_1451 : vector<16xf32>
      %max3A_1475 = arith.maximumf %max3A_1474, %get3A_1456 : vector<16xf32>
      %max3A_1476 = arith.maximumf %max3A_1475, %get3A_1461 : vector<16xf32>
      %max3A_1477 = arith.maximumf %max3A_1476, %get3A_1466 : vector<16xf32>
      %max3A_1478 = arith.maximumf %max3A_1477, %get3A_1471 : vector<16xf32>
      %eq3A_1479 = arith.cmpf oeq, %get3A_1471, %max3A_1478 : vector<16xf32>
      %broadcast_in_dim3A_1480 = arith.constant 7 : i32
      %broadcast_in_dim3A_1481 = vector.broadcast %broadcast_in_dim3A_1480 : i32 to vector<16xi32>
      %select_n3A_1482 = arith.select %eq3A_1479, %broadcast_in_dim3A_1481, %broadcast_in_dim3A_3 : vector<16xi1>, vector<16xi32>
      %eq3A_1483 = arith.cmpf oeq, %get3A_1466, %max3A_1478 : vector<16xf32>
      %broadcast_in_dim3A_1484 = arith.constant 6 : i32
      %broadcast_in_dim3A_1485 = vector.broadcast %broadcast_in_dim3A_1484 : i32 to vector<16xi32>
      %select_n3A_1486 = arith.select %eq3A_1483, %broadcast_in_dim3A_1485, %select_n3A_1482 : vector<16xi1>, vector<16xi32>
      %eq3A_1487 = arith.cmpf oeq, %get3A_1461, %max3A_1478 : vector<16xf32>
      %broadcast_in_dim3A_1488 = arith.constant 5 : i32
      %broadcast_in_dim3A_1489 = vector.broadcast %broadcast_in_dim3A_1488 : i32 to vector<16xi32>
      %select_n3A_1490 = arith.select %eq3A_1487, %broadcast_in_dim3A_1489, %select_n3A_1486 : vector<16xi1>, vector<16xi32>
      %eq3A_1491 = arith.cmpf oeq, %get3A_1456, %max3A_1478 : vector<16xf32>
      %broadcast_in_dim3A_1492 = arith.constant 4 : i32
      %broadcast_in_dim3A_1493 = vector.broadcast %broadcast_in_dim3A_1492 : i32 to vector<16xi32>
      %select_n3A_1494 = arith.select %eq3A_1491, %broadcast_in_dim3A_1493, %select_n3A_1490 : vector<16xi1>, vector<16xi32>
      %eq3A_1495 = arith.cmpf oeq, %get3A_1451, %max3A_1478 : vector<16xf32>
      %broadcast_in_dim3A_1496 = arith.constant 3 : i32
      %broadcast_in_dim3A_1497 = vector.broadcast %broadcast_in_dim3A_1496 : i32 to vector<16xi32>
      %select_n3A_1498 = arith.select %eq3A_1495, %broadcast_in_dim3A_1497, %select_n3A_1494 : vector<16xi1>, vector<16xi32>
      %eq3A_1499 = arith.cmpf oeq, %get3A_1446, %max3A_1478 : vector<16xf32>
      %broadcast_in_dim3A_1500 = arith.constant 2 : i32
      %broadcast_in_dim3A_1501 = vector.broadcast %broadcast_in_dim3A_1500 : i32 to vector<16xi32>
      %select_n3A_1502 = arith.select %eq3A_1499, %broadcast_in_dim3A_1501, %select_n3A_1498 : vector<16xi1>, vector<16xi32>
      %eq3A_1503 = arith.cmpf oeq, %get3A_1441, %max3A_1478 : vector<16xf32>
      %broadcast_in_dim3A_1504 = arith.constant 1 : i32
      %broadcast_in_dim3A_1505 = vector.broadcast %broadcast_in_dim3A_1504 : i32 to vector<16xi32>
      %select_n3A_1506 = arith.select %eq3A_1503, %broadcast_in_dim3A_1505, %select_n3A_1502 : vector<16xi1>, vector<16xi32>
      %eq3A_1507 = arith.cmpf oeq, %get3A_1436, %max3A_1478 : vector<16xf32>
      %broadcast_in_dim3A_1508 = arith.constant 0 : i32
      %broadcast_in_dim3A_1509 = vector.broadcast %broadcast_in_dim3A_1508 : i32 to vector<16xi32>
      %select_n3A_1510 = arith.select %eq3A_1507, %broadcast_in_dim3A_1509, %select_n3A_1506 : vector<16xi1>, vector<16xi32>
      %eq3A_1511 = arith.constant 0 : i32
      %eq3A_1512 = vector.broadcast %eq3A_1511 : i32 to vector<16xi32>
      %eq3A_1513 = arith.cmpi eq, %select_n3A_1510, %eq3A_1512 : vector<16xi32>
      %jit3A_1514 = arith.constant 0xFF800000 : f32
      %broadcast_in_dim3A_1515 = vector.broadcast %jit3A_1514 : f32 to vector<16xf32>
      %select_n3A_1516 = arith.select %eq3A_1513, %broadcast_in_dim3A_1515, %get3A_1436 : vector<16xi1>, vector<16xf32>
      %eq3A_1517 = arith.constant 1 : i32
      %eq3A_1518 = vector.broadcast %eq3A_1517 : i32 to vector<16xi32>
      %eq3A_1519 = arith.cmpi eq, %select_n3A_1510, %eq3A_1518 : vector<16xi32>
      %jit3A_1520 = arith.constant 0xFF800000 : f32
      %broadcast_in_dim3A_1521 = vector.broadcast %jit3A_1520 : f32 to vector<16xf32>
      %select_n3A_1522 = arith.select %eq3A_1519, %broadcast_in_dim3A_1521, %get3A_1441 : vector<16xi1>, vector<16xf32>
      %eq3A_1523 = arith.constant 2 : i32
      %eq3A_1524 = vector.broadcast %eq3A_1523 : i32 to vector<16xi32>
      %eq3A_1525 = arith.cmpi eq, %select_n3A_1510, %eq3A_1524 : vector<16xi32>
      %jit3A_1526 = arith.constant 0xFF800000 : f32
      %broadcast_in_dim3A_1527 = vector.broadcast %jit3A_1526 : f32 to vector<16xf32>
      %select_n3A_1528 = arith.select %eq3A_1525, %broadcast_in_dim3A_1527, %get3A_1446 : vector<16xi1>, vector<16xf32>
      %eq3A_1529 = arith.constant 3 : i32
      %eq3A_1530 = vector.broadcast %eq3A_1529 : i32 to vector<16xi32>
      %eq3A_1531 = arith.cmpi eq, %select_n3A_1510, %eq3A_1530 : vector<16xi32>
      %jit3A_1532 = arith.constant 0xFF800000 : f32
      %broadcast_in_dim3A_1533 = vector.broadcast %jit3A_1532 : f32 to vector<16xf32>
      %select_n3A_1534 = arith.select %eq3A_1531, %broadcast_in_dim3A_1533, %get3A_1451 : vector<16xi1>, vector<16xf32>
      %eq3A_1535 = arith.constant 4 : i32
      %eq3A_1536 = vector.broadcast %eq3A_1535 : i32 to vector<16xi32>
      %eq3A_1537 = arith.cmpi eq, %select_n3A_1510, %eq3A_1536 : vector<16xi32>
      %jit3A_1538 = arith.constant 0xFF800000 : f32
      %broadcast_in_dim3A_1539 = vector.broadcast %jit3A_1538 : f32 to vector<16xf32>
      %select_n3A_1540 = arith.select %eq3A_1537, %broadcast_in_dim3A_1539, %get3A_1456 : vector<16xi1>, vector<16xf32>
      %eq3A_1541 = arith.constant 5 : i32
      %eq3A_1542 = vector.broadcast %eq3A_1541 : i32 to vector<16xi32>
      %eq3A_1543 = arith.cmpi eq, %select_n3A_1510, %eq3A_1542 : vector<16xi32>
      %jit3A_1544 = arith.constant 0xFF800000 : f32
      %broadcast_in_dim3A_1545 = vector.broadcast %jit3A_1544 : f32 to vector<16xf32>
      %select_n3A_1546 = arith.select %eq3A_1543, %broadcast_in_dim3A_1545, %get3A_1461 : vector<16xi1>, vector<16xf32>
      %eq3A_1547 = arith.constant 6 : i32
      %eq3A_1548 = vector.broadcast %eq3A_1547 : i32 to vector<16xi32>
      %eq3A_1549 = arith.cmpi eq, %select_n3A_1510, %eq3A_1548 : vector<16xi32>
      %jit3A_1550 = arith.constant 0xFF800000 : f32
      %broadcast_in_dim3A_1551 = vector.broadcast %jit3A_1550 : f32 to vector<16xf32>
      %select_n3A_1552 = arith.select %eq3A_1549, %broadcast_in_dim3A_1551, %get3A_1466 : vector<16xi1>, vector<16xf32>
      %eq3A_1553 = arith.constant 7 : i32
      %eq3A_1554 = vector.broadcast %eq3A_1553 : i32 to vector<16xi32>
      %eq3A_1555 = arith.cmpi eq, %select_n3A_1510, %eq3A_1554 : vector<16xi32>
      %jit3A_1556 = arith.constant 0xFF800000 : f32
      %broadcast_in_dim3A_1557 = vector.broadcast %jit3A_1556 : f32 to vector<16xf32>
      %select_n3A_1558 = arith.select %eq3A_1555, %broadcast_in_dim3A_1557, %get3A_1471 : vector<16xi1>, vector<16xf32>
      %max3A_1559 = arith.maximumf %select_n3A_1516, %select_n3A_1522 : vector<16xf32>
      %max3A_1560 = arith.maximumf %max3A_1559, %select_n3A_1528 : vector<16xf32>
      %max3A_1561 = arith.maximumf %max3A_1560, %select_n3A_1534 : vector<16xf32>
      %max3A_1562 = arith.maximumf %max3A_1561, %select_n3A_1540 : vector<16xf32>
      %max3A_1563 = arith.maximumf %max3A_1562, %select_n3A_1546 : vector<16xf32>
      %max3A_1564 = arith.maximumf %max3A_1563, %select_n3A_1552 : vector<16xf32>
      %max3A_1565 = arith.maximumf %max3A_1564, %select_n3A_1558 : vector<16xf32>
      %eq3A_1566 = arith.cmpf oeq, %select_n3A_1558, %max3A_1565 : vector<16xf32>
      %broadcast_in_dim3A_1567 = arith.constant 7 : i32
      %broadcast_in_dim3A_1568 = vector.broadcast %broadcast_in_dim3A_1567 : i32 to vector<16xi32>
      %select_n3A_1569 = arith.select %eq3A_1566, %broadcast_in_dim3A_1568, %broadcast_in_dim3A_3 : vector<16xi1>, vector<16xi32>
      %eq3A_1570 = arith.cmpf oeq, %select_n3A_1552, %max3A_1565 : vector<16xf32>
      %broadcast_in_dim3A_1571 = arith.constant 6 : i32
      %broadcast_in_dim3A_1572 = vector.broadcast %broadcast_in_dim3A_1571 : i32 to vector<16xi32>
      %select_n3A_1573 = arith.select %eq3A_1570, %broadcast_in_dim3A_1572, %select_n3A_1569 : vector<16xi1>, vector<16xi32>
      %eq3A_1574 = arith.cmpf oeq, %select_n3A_1546, %max3A_1565 : vector<16xf32>
      %broadcast_in_dim3A_1575 = arith.constant 5 : i32
      %broadcast_in_dim3A_1576 = vector.broadcast %broadcast_in_dim3A_1575 : i32 to vector<16xi32>
      %select_n3A_1577 = arith.select %eq3A_1574, %broadcast_in_dim3A_1576, %select_n3A_1573 : vector<16xi1>, vector<16xi32>
      %eq3A_1578 = arith.cmpf oeq, %select_n3A_1540, %max3A_1565 : vector<16xf32>
      %broadcast_in_dim3A_1579 = arith.constant 4 : i32
      %broadcast_in_dim3A_1580 = vector.broadcast %broadcast_in_dim3A_1579 : i32 to vector<16xi32>
      %select_n3A_1581 = arith.select %eq3A_1578, %broadcast_in_dim3A_1580, %select_n3A_1577 : vector<16xi1>, vector<16xi32>
      %eq3A_1582 = arith.cmpf oeq, %select_n3A_1534, %max3A_1565 : vector<16xf32>
      %broadcast_in_dim3A_1583 = arith.constant 3 : i32
      %broadcast_in_dim3A_1584 = vector.broadcast %broadcast_in_dim3A_1583 : i32 to vector<16xi32>
      %select_n3A_1585 = arith.select %eq3A_1582, %broadcast_in_dim3A_1584, %select_n3A_1581 : vector<16xi1>, vector<16xi32>
      %eq3A_1586 = arith.cmpf oeq, %select_n3A_1528, %max3A_1565 : vector<16xf32>
      %broadcast_in_dim3A_1587 = arith.constant 2 : i32
      %broadcast_in_dim3A_1588 = vector.broadcast %broadcast_in_dim3A_1587 : i32 to vector<16xi32>
      %select_n3A_1589 = arith.select %eq3A_1586, %broadcast_in_dim3A_1588, %select_n3A_1585 : vector<16xi1>, vector<16xi32>
      %eq3A_1590 = arith.cmpf oeq, %select_n3A_1522, %max3A_1565 : vector<16xf32>
      %broadcast_in_dim3A_1591 = arith.constant 1 : i32
      %broadcast_in_dim3A_1592 = vector.broadcast %broadcast_in_dim3A_1591 : i32 to vector<16xi32>
      %select_n3A_1593 = arith.select %eq3A_1590, %broadcast_in_dim3A_1592, %select_n3A_1589 : vector<16xi1>, vector<16xi32>
      %eq3A_1594 = arith.cmpf oeq, %select_n3A_1516, %max3A_1565 : vector<16xf32>
      %broadcast_in_dim3A_1595 = arith.constant 0 : i32
      %broadcast_in_dim3A_1596 = vector.broadcast %broadcast_in_dim3A_1595 : i32 to vector<16xi32>
      %select_n3A_1597 = arith.select %eq3A_1594, %broadcast_in_dim3A_1596, %select_n3A_1593 : vector<16xi1>, vector<16xi32>
      %sub3A_1598 = arith.subf %max3A_1565, %max3A_1478 : vector<16xf32>
      %exp3A_1599 = math.exp %sub3A_1598 : vector<16xf32>
      %add3A_1600 = arith.constant 1.000000e+00 : f32
      %add3A_1601 = vector.broadcast %add3A_1600 : f32 to vector<16xf32>
      %add3A_1602 = arith.addf %add3A_1601, %exp3A_1599 : vector<16xf32>
      %div3A_1603 = arith.constant 1.000000e+00 : f32
      %div3A_1604 = vector.broadcast %div3A_1603 : f32 to vector<16xf32>
      %div3A_1605 = arith.divf %div3A_1604, %add3A_1602 : vector<16xf32>
      %mul3A_1606 = arith.mulf %exp3A_1599, %div3A_1605 : vector<16xf32>
      %swap3A_1607 = arith.constant 0 : i32
      %swap3A_1608 = arith.index_cast %swap3A_1607 : i32 to index
      %swap3A_1609 = arith.index_cast %add3A_1431 : i32 to index
      %swap3A_1610 = tpu.vector_load %arg6[%swap3A_1608, %swap3A_1609] {strides = array<i32>} : memref<2x1024xf32, #tpu.memory_space<vmem>>, vector<1x16xf32>,
      %swap3A_1611 = vector.shape_cast %swap3A_1610 : vector<1x16xf32> to vector<16xf32>
      %swap3A_1612 = vector.shape_cast %div3A_1605 : vector<16xf32> to vector<1x16xf32>
      tpu.vector_store %arg6[%swap3A_1608, %swap3A_1609], %swap3A_1612 {strides = array<i32>} : memref<2x1024xf32, #tpu.memory_space<vmem>>, vector<1x16xf32>,
      %swap3A_1613 = arith.constant 1 : i32
      %swap3A_1614 = arith.index_cast %swap3A_1613 : i32 to index
      %swap3A_1615 = arith.index_cast %add3A_1431 : i32 to index
      %swap3A_1616 = tpu.vector_load %arg6[%swap3A_1614, %swap3A_1615] {strides = array<i32>} : memref<2x1024xf32, #tpu.memory_space<vmem>>, vector<1x16xf32>,
      %swap3A_1617 = vector.shape_cast %swap3A_1616 : vector<1x16xf32> to vector<16xf32>
      %swap3A_1618 = vector.shape_cast %mul3A_1606 : vector<16xf32> to vector<1x16xf32>
      tpu.vector_store %arg6[%swap3A_1614, %swap3A_1615], %swap3A_1618 {strides = array<i32>} : memref<2x1024xf32, #tpu.memory_space<vmem>>, vector<1x16xf32>,
      %swap3A_1619 = arith.constant 0 : i32
      %swap3A_1620 = arith.index_cast %swap3A_1619 : i32 to index
      %swap3A_1621 = arith.index_cast %add3A_1431 : i32 to index
      %swap3A_1622 = tpu.vector_load %arg7[%swap3A_1620, %swap3A_1621] {strides = array<i32>} : memref<2x1024xi32, #tpu.memory_space<vmem>>, vector<1x16xi32>,
      %swap3A_1623 = vector.shape_cast %swap3A_1622 : vector<1x16xi32> to vector<16xi32>
      %swap3A_1624 = vector.shape_cast %select_n3A_1510 : vector<16xi32> to vector<1x16xi32>
      tpu.vector_store %arg7[%swap3A_1620, %swap3A_1621], %swap3A_1624 {strides = array<i32>} : memref<2x1024xi32, #tpu.memory_space<vmem>>, vector<1x16xi32>,
      %swap3A_1625 = arith.constant 1 : i32
      %swap3A_1626 = arith.index_cast %swap3A_1625 : i32 to index
      %swap3A_1627 = arith.index_cast %add3A_1431 : i32 to index
      %swap3A_1628 = tpu.vector_load %arg7[%swap3A_1626, %swap3A_1627] {strides = array<i32>} : memref<2x1024xi32, #tpu.memory_space<vmem>>, vector<1x16xi32>,
      %swap3A_1629 = vector.shape_cast %swap3A_1628 : vector<1x16xi32> to vector<16xi32>
      %swap3A_1630 = vector.shape_cast %select_n3A_1597 : vector<16xi32> to vector<1x16xi32>
      tpu.vector_store %arg7[%swap3A_1626, %swap3A_1627], %swap3A_1630 {strides = array<i32>} : memref<2x1024xi32, #tpu.memory_space<vmem>>, vector<1x16xi32>,
      %scan3A_1631 = arith.constant 0 : i32
      scf.yield %scan3A_1631 : i32
    }
    %scan3A_9 = arith.constant 8 : i32
    %mul3A_10 = arith.constant 1024 : i32
    %mul3A_11 = arith.muli %add3A, %mul3A_10 : i32
    %dma_start3A = arith.constant 0 : i32
    %dma_start3A_12 = tpu.memref_slice %arg3[%dma_start3A, %mul3A_11] : memref<2x32768xf32, #tpu.memory_space<hbm>> -> memref<2x1024xf32, #tpu.memory_space<hbm>>
    %dma_start3A_13 = arith.constant 0 : i32
    %dma_start3A_14 = tpu.memref_slice %arg3[%dma_start3A_13, %mul3A_11] : memref<2x32768xf32, #tpu.memory_space<hbm>> -> memref<2x1024xf32, #tpu.memory_space<hbm>>
    tpu.enqueue_dma source(%arg6 : memref<2x1024xf32, #tpu.memory_space<vmem>>) target(%dma_start3A_14 : memref<2x1024xf32, #tpu.memory_space<hbm>>) target_semaphore(%arg8 : memref<!tpu.dma_semaphore, #tpu.memory_space<semaphore_mem>>)
    %mul3A_15 = arith.constant 1024 : i32
    %mul3A_16 = arith.muli %add3A, %mul3A_15 : i32
    %dma_start3A_17 = arith.constant 0 : i32
    %dma_start3A_18 = tpu.memref_slice %arg4[%dma_start3A_17, %mul3A_16] : memref<2x32768xi32, #tpu.memory_space<hbm>> -> memref<2x1024xi32, #tpu.memory_space<hbm>>
    %dma_start3A_19 = arith.constant 0 : i32
    %dma_start3A_20 = tpu.memref_slice %arg4[%dma_start3A_19, %mul3A_16] : memref<2x32768xi32, #tpu.memory_space<hbm>> -> memref<2x1024xi32, #tpu.memory_space<hbm>>
    tpu.enqueue_dma source(%arg7 : memref<2x1024xi32, #tpu.memory_space<vmem>>) target(%dma_start3A_20 : memref<2x1024xi32, #tpu.memory_space<hbm>>) target_semaphore(%arg8 : memref<!tpu.dma_semaphore, #tpu.memory_space<semaphore_mem>>)
    %dma_wait3A = arith.constant 0 : i32
    %dma_wait3A_21 = tpu.memref_slice %arg3[%dma_wait3A, %mul3A_11] : memref<2x32768xf32, #tpu.memory_space<hbm>> -> memref<2x1024xf32, #tpu.memory_space<hbm>>
    %dma_wait3A_22 = arith.constant 0 : i32
    %dma_wait3A_23 = tpu.memref_slice %arg3[%dma_wait3A_22, %mul3A_11] : memref<2x32768xf32, #tpu.memory_space<hbm>> -> memref<2x1024xf32, #tpu.memory_space<hbm>>
    tpu.wait_dma2 semaphore(%arg8 : memref<!tpu.dma_semaphore, #tpu.memory_space<semaphore_mem>>) src(%arg6 : memref<2x1024xf32, #tpu.memory_space<vmem>>) dst(%dma_wait3A_23 : memref<2x1024xf32, #tpu.memory_space<hbm>>)
    %dma_wait3A_24 = arith.constant 0 : i32
    %dma_wait3A_25 = tpu.memref_slice %arg4[%dma_wait3A_24, %mul3A_16] : memref<2x32768xi32, #tpu.memory_space<hbm>> -> memref<2x1024xi32, #tpu.memory_space<hbm>>
    %dma_wait3A_26 = arith.constant 0 : i32
    %dma_wait3A_27 = tpu.memref_slice %arg4[%dma_wait3A_26, %mul3A_16] : memref<2x32768xi32, #tpu.memory_space<hbm>> -> memref<2x1024xi32, #tpu.memory_space<hbm>>
    tpu.wait_dma2 semaphore(%arg8 : memref<!tpu.dma_semaphore, #tpu.memory_space<semaphore_mem>>) src(%arg7 : memref<2x1024xi32, #tpu.memory_space<vmem>>) dst(%dma_wait3A_27 : memref<2x1024xi32, #tpu.memory_space<hbm>>)
    return
  }
}

module attributes {stable_mosaic.version = 14 : i64} {
  func.func @_gate_kernel(%arg0: i32, %arg1: memref<4096x768xf32, #tpu.memory_space<vmem>>, %arg2: memref<8x768xf32, #tpu.memory_space<vmem>>, %arg3: memref<8x4096xf32, #tpu.memory_space<vmem>>, %arg4: memref<1x1xf32, #tpu.memory_space<smem>>, %arg5: memref<8x128xf32, #tpu.memory_space<vmem>>) attributes {dimension_semantics = [#tpu.dimension_semantics<arbitrary>], iteration_bounds = array<i64: 8>, scalar_prefetch = 0 : i64, scratch_operands = 1 : i64, tpu.core_type = #tpu.core_type<tc>, window_params = [{transform_indices = @transform_0, window_bounds = array<i64: 4096, 768>}, {pipeline_mode = #tpu.pipeline_mode<synchronous>, transform_indices = @transform_1, window_bounds = array<i64: 8, 768>}, {transform_indices = @transform_2, window_bounds = array<i64: 8, 4096>}, {transform_indices = @transform_3, window_bounds = array<i64: 1, 1>}]} {
    %get3A = arith.constant 0 : index
    %get3A_0 = arith.constant 0 : index
    %get3A_1 = vector.load %arg2[%get3A, %get3A_0] : memref<8x768xf32, #tpu.memory_space<vmem>>, vector<8x768xf32>
    %get3A_2 = arith.constant 0 : index
    %get3A_3 = arith.constant 0 : index
    %get3A_4 = vector.load %arg1[%get3A_2, %get3A_3] : memref<4096x768xf32, #tpu.memory_space<vmem>>, vector<4096x768xf32>
    %dot_general3A = arith.constant dense<0.000000e+00> : vector<8x4096xf32>
    %dot_general3A_5 = tpu.matmul %get3A_1, %get3A_4, %dot_general3A {dimension_numbers = #tpu.dot_dimension_numbers<[1], [1], [0], [0], [0, 0, 1, 0], [], []>, transpose_lhs_hint = false} : vector<8x768xf32>, vector<4096x768xf32>, vector<8x4096xf32> -> vector<8x4096xf32>
    %swap3A = arith.constant 0 : index
    %swap3A_6 = arith.constant 0 : index
    %swap3A_7 = vector.load %arg3[%swap3A, %swap3A_6] : memref<8x4096xf32, #tpu.memory_space<vmem>>, vector<8x4096xf32>
    tpu.vector_store %arg3[%swap3A, %swap3A_6], %dot_general3A_5 {strides = array<i32>} : memref<8x4096xf32, #tpu.memory_space<vmem>>, vector<8x4096xf32>,
    %reduce_max3A = arith.constant dense<0xFF800000> : vector<4096xf32>
    %reduce_max3A_8 = vector.multi_reduction <maximumf>, %dot_general3A_5, %reduce_max3A [0] : vector<8x4096xf32> to vector<4096xf32>
    %broadcast_in_dim3A = vector.shape_cast %reduce_max3A_8 : vector<4096xf32> to vector<1x4096xf32>
    %sub3A = vector.broadcast %broadcast_in_dim3A : vector<1x4096xf32> to vector<8x4096xf32>
    %sub3A_9 = arith.subf %dot_general3A_5, %sub3A : vector<8x4096xf32>
    %exp3A = math.exp %sub3A_9 : vector<8x4096xf32>
    %reduce_sum3A = arith.constant dense<0.000000e+00> : vector<4096xf32>
    %reduce_sum3A_10 = vector.multi_reduction <add>, %exp3A, %reduce_sum3A [0] : vector<8x4096xf32> to vector<4096xf32>
    %broadcast_in_dim3A_11 = vector.shape_cast %reduce_sum3A_10 : vector<4096xf32> to vector<1x4096xf32>
    %div3A = vector.broadcast %broadcast_in_dim3A_11 : vector<1x4096xf32> to vector<8x4096xf32>
    %div3A_12 = arith.divf %exp3A, %div3A : vector<8x4096xf32>
    %reshape3A = vector.shape_cast %div3A_12 : vector<8x4096xf32> to vector<8x32x128xf32>
    %reduce_sum3A_13 = arith.constant dense<0.000000e+00> : vector<8x128xf32>
    %reduce_sum3A_14 = vector.multi_reduction <add>, %reshape3A, %reduce_sum3A_13 [1] : vector<8x32x128xf32> to vector<8x128xf32>
    %eq3A = arith.constant 0 : i32
    %eq3A_15 = arith.cmpi eq, %arg0, %eq3A : i32
    %convert_element_type3A = arith.extui %eq3A_15 : i1 to i32
    %cond3A = arith.constant 0 : i32
    %cond3A_16 = arith.cmpi ne, %convert_element_type3A, %cond3A : i32
    scf.if %cond3A_16 {
      %swap3A_26 = arith.constant 0 : index
      %swap3A_27 = arith.constant 0 : index
      %swap3A_28 = vector.load %arg5[%swap3A_26, %swap3A_27] : memref<8x128xf32, #tpu.memory_space<vmem>>, vector<8x128xf32>
      tpu.vector_store %arg5[%swap3A_26, %swap3A_27], %reduce_sum3A_14 {strides = array<i32>} : memref<8x128xf32, #tpu.memory_space<vmem>>, vector<8x128xf32>,
    } else {
    }
    %gt3A = arith.constant 0 : i32
    %gt3A_17 = arith.cmpi sgt, %arg0, %gt3A : i32
    %convert_element_type3A_18 = arith.extui %gt3A_17 : i1 to i32
    %cond3A_19 = arith.constant 0 : i32
    %cond3A_20 = arith.cmpi ne, %convert_element_type3A_18, %cond3A_19 : i32
    scf.if %cond3A_20 {
      %get3A_26 = arith.constant 0 : index
      %get3A_27 = arith.constant 0 : index
      %get3A_28 = vector.load %arg5[%get3A_26, %get3A_27] : memref<8x128xf32, #tpu.memory_space<vmem>>, vector<8x128xf32>
      %add3A = arith.addf %get3A_28, %reduce_sum3A_14 : vector<8x128xf32>
      %swap3A_29 = arith.constant 0 : index
      %swap3A_30 = arith.constant 0 : index
      %swap3A_31 = vector.load %arg5[%swap3A_29, %swap3A_30] : memref<8x128xf32, #tpu.memory_space<vmem>>, vector<8x128xf32>
      tpu.vector_store %arg5[%swap3A_29, %swap3A_30], %add3A {strides = array<i32>} : memref<8x128xf32, #tpu.memory_space<vmem>>, vector<8x128xf32>,
    } else {
    }
    %eq3A_21 = arith.constant 7 : i32
    %eq3A_22 = arith.cmpi eq, %arg0, %eq3A_21 : i32
    %convert_element_type3A_23 = arith.extui %eq3A_22 : i1 to i32
    %cond3A_24 = arith.constant 0 : i32
    %cond3A_25 = arith.cmpi ne, %convert_element_type3A_23, %cond3A_24 : i32
    scf.if %cond3A_25 {
      %get3A_26 = arith.constant 0 : index
      %get3A_27 = arith.constant 0 : index
      %get3A_28 = vector.load %arg5[%get3A_26, %get3A_27] : memref<8x128xf32, #tpu.memory_space<vmem>>, vector<8x128xf32>
      %reduce_sum3A_29 = arith.constant dense<0.000000e+00> : vector<8xf32>
      %reduce_sum3A_30 = vector.multi_reduction <add>, %get3A_28, %reduce_sum3A_29 [1] : vector<8x128xf32> to vector<8xf32>
      %div3A_31 = arith.constant 3.276800e+04 : f32
      %div3A_32 = vector.broadcast %div3A_31 : f32 to vector<8xf32>
      %div3A_33 = arith.divf %reduce_sum3A_30, %div3A_32 : vector<8xf32>
      %mul3A = arith.mulf %div3A_33, %div3A_33 : vector<8xf32>
      %reduce_sum3A_34 = vector.shape_cast %mul3A : vector<8xf32> to vector<1x8xf32>
      %reduce_sum3A_35 = arith.constant dense<0.000000e+00> : vector<1xf32>
      %reduce_sum3A_36 = vector.multi_reduction <add>, %reduce_sum3A_34, %reduce_sum3A_35 [1] : vector<1x8xf32> to vector<1xf32>
      %reduce_sum3A_37 = vector.shape_cast %reduce_sum3A_36 : vector<1xf32> to vector<1x1xf32>
      %reduce_sum3A_38 = vector.extract %reduce_sum3A_37[0, 0] : f32 from vector<1x1xf32>
      %mul3A_39 = arith.constant 8.000000e+00 : f32
      %mul3A_40 = arith.mulf %mul3A_39, %reduce_sum3A_38 : f32
      %swap3A_41 = arith.constant 0 : index
      %swap3A_42 = arith.constant 0 : index
      %swap3A_43 = memref.load %arg4[%swap3A_41, %swap3A_42] : memref<1x1xf32, #tpu.memory_space<smem>>
      memref.store %mul3A_40, %arg4[%swap3A_41, %swap3A_42] : memref<1x1xf32, #tpu.memory_space<smem>>
    } else {
    }
    return
  }
  func.func @transform_0(%arg0: i32) -> (i32, i32) {
    %c0_i32 = arith.constant 0 : i32
    %c0_i32_0 = arith.constant 0 : i32
    return %arg0, %c0_i32 : i32, i32
  }
  func.func @transform_1(%arg0: i32) -> (i32, i32) {
    %c0_i32 = arith.constant 0 : i32
    %c0_i32_0 = arith.constant 0 : i32
    %c0_i32_1 = arith.constant 0 : i32
    return %c0_i32, %c0_i32_0 : i32, i32
  }
  func.func @transform_2(%arg0: i32) -> (i32, i32) {
    %c0_i32 = arith.constant 0 : i32
    %c0_i32_0 = arith.constant 0 : i32
    return %c0_i32, %arg0 : i32, i32
  }
  func.func @transform_3(%arg0: i32) -> (i32, i32) {
    %c0_i32 = arith.constant 0 : i32
    %c0_i32_0 = arith.constant 0 : i32
    %c0_i32_1 = arith.constant 0 : i32
    return %c0_i32, %c0_i32_0 : i32, i32
  }
}

</mosaic_0001>

<sc_bundles>
// kernel: kernel.4.cloned.1.call-start
scs
__scs_entry_jumppad:
0x0: {  	(pc) =	sbr.rel $0x88, $3  }
0x1: {  	(tag) =	ssettag $0x0;
	lr =	simm.s32 $0x1  }
0x2: {  	[smem:$0x3F9F] =	sst lr;
	_ =	strace $0xD0000000  }
0x3: {  	_ = 	snop  }
0x4: {  	_ = 	snop  }
0x5: {  	_ = 	snop  }
0x6: {  	_ = 	snop  }
0x7: {  	_ = 	snop  }
__scs_overlays_trampoline_lowered:
0x8: {  	[smem:$0x3FAE] =	sst s0  }
0x9: {  	[smem:$0x3FAF] =	sst s1  }
0xa: {  	[smem:$0x3FB0] =	sst s2  }
0xb: {  	[smem:$0x3FB1] =	sst s3  }
0xc: {  	[smem:$0x3FB2] =	sst s4  }
0xd: {  	[smem:$0x3FB3] =	sst s5  }
0xe: {  	[smem:$0x3FB4] =	sst s6  }
0xf: {  	[smem:$0x3FB5] =	sst s7  }
0x10: {  	[smem:$0x3FB6] =	sst s8  }
0x11: {  	[smem:$0x3FB7] =	sst s9;
	s0 =	simm.s32 @!p0 $0x0  }
0x12: {  	s1 =	sld [smem:$0x3F9D];
	s0 =	simm.s32 @p0 $0x1  }
0x13: {  	[smem:$0x3FB8] =	sst s0;
	s0 =	simm.s32 @!p1 $0x0  }
0x14: {  	s2 =	sld [smem:$0x3F9C];
	s0 =	simm.s32 @p1 $0x1  }
0x15: {  	[smem:$0x3FB9] =	sst s0;
	s0 =	simm.s32 @!p2 $0x0  }
0x16: {  	s3 =	sld [smem:$0x3FDB];
	s0 =	simm.s32 @p2 $0x1  }
0x17: {  	s4 =	simm.s32 $0x1BF5;
	[smem:$0x3FBB] =	sst s0  }
0x18: {  	s0 =	sld [smem:$0x3F9E];
	_ =	swait.ge [sflag:s4], $0x0  }
0x19: {  	s7 =	sld [smem:$0x3F9F]  }
0x1a: {  	s8 =	sadd.s32 $0xFFFFE003, lr  }
0x1b: {  	s9 =	sadd.s32 $0xFFFFFEF7, lr;
	s5 =	simm.s32 $0xFFFFFFFF;
	p2 =	slt.u32 s8, $0xFFFFF086  }
0x1c: {  	p1 =	slt.u32 s9, $0xF7A;
	s5 =	simm.s32 @!p2 $0x0  }
0x1d: {  	s5 =	simm.s32 @p1 $0x1;
	p0 =	seq.s32 s7, s2  }
0x1e: {  	s7 =	smul.u32 @!p0 $0xF7A, s2;
	p2 =	seq.s32 @!p0 s5, $0x0  }
0x1f: {  	s9 =	smul.u32 $0xF7A, s1;
	s8 =	simm.s32 @!p0 $0x1BF5;
	p2 =	por !p2, p0  }
0x20: {  	[sflag:s8] =	ssyncset.s32 @!p0 $0xFFFFF086;
	s6 =	sadd.s32 @!p0 s3, s7;
	s7 =	simm.s32 @!p0 $0x108  }
0x21: {  	s3 =	sadd.s32 s3, s9;
	s6 =	sadd.s32 @!p0 $0x88, s6;
	s7 =	simm.s32 @p2 $0x1082  }
0x22: {  	[simem:s7], [sflag:s8] =	dma.local @!p0 [hbm:s6], $0xF7A  }
0x23: {  	s9 =	sor.u32 $0xD0000000, s2;
	s6 =	simm.s32 $0x108;
	_ =	swait.ge @!p0 [sflag:s8], $0x0  }
0x24: {  	s3 =	sadd.s32 $0x88, s3;
	s6 =	simm.s32 @!p1 $0x1082;
	[sflag:s4] =	ssyncset.s32 $0xFFFFF086  }
0x25: {  	[simem:s6], [sflag:s4] =	dma.local [hbm:s3], $0xF7A  }
0x26: {  	[smem:$0x3F9F] =	sst s1;
	(tag) =	ssettag s2;
	_ =	strace s9  }
0x27: {  	s1 =	sld [smem:$0x3FAF]  }
0x28: {  	s2 =	sld [smem:$0x3FB0]  }
0x29: {  	s4 =	sld [smem:$0x3FB2]  }
0x2a: {  	p0 =	seq.s32 s5, $0x0;
	s5 =	sld [smem:$0x3FB3]  }
0x2b: {  	s6 =	sld [smem:$0x3FB4]  }
0x2c: {  	s7 =	sld [smem:$0x3FB5]  }
0x2d: {  	s3 =	simm.s32 $0x108;
	s8 =	sld [smem:$0x3FB6]  }
0x2e: {  	s3 =	simm.s32 @!p0 $0x1082;
	s9 =	sld [smem:$0x3FB7]  }
0x2f: {  	lr =	sadd.s32 s0, s3;
	s0 =	sld [smem:$0x3FAE]  }
0x30: {  	s3 =	sld [smem:$0x3FB1]  }
0x31: {  	[smem:$0x3FBA] =	sst s10  }
0x32: {  	s10 =	sld [smem:$0x3FB8];
	_ =	sdelay $0x3  }
0x33: {  	p0 =	seq.s32 s10, $0x1;
	s10 =	sld [smem:$0x3FBA];
	_ =	sdelay $0x3  }
0x34: {  	[smem:$0x3FBA] =	sst s10  }
0x35: {  	s10 =	sld [smem:$0x3FB9];
	_ =	sdelay $0x3  }
0x36: {  	p1 =	seq.s32 s10, $0x1;
	s10 =	sld [smem:$0x3FBA];
	_ =	sdelay $0x3  }
0x37: {  	[smem:$0x3FBA] =	sst s10  }
0x38: {  	s10 =	sld [smem:$0x3FBB]  }
0x39: {  	_ = 	snop;
	(pc) =	sbr.ind lr, $3  }
0x3a: {  	_ = 	snop  }
0x3b: {  	_ = 	snop  }
0x3c: {  	p2 =	seq.s32 s10, $0x1;
	s10 =	sld [smem:$0x3FBA]  }
0x3d: {  	_ =	shalt  }
0x3e: {  	_ =	shalt  }
0x3f: {  	_ =	shalt  }
0x40: {  	_ =	shalt  }
0x41: {  	_ =	shalt  }
0x42: {  	_ =	shalt  }
0x43: {  	_ =	shalt  }
0x44: {  	_ =	shalt  }
0x45: {  	_ =	shalt  }
0x46: {  	_ =	shalt  }
0x47: {  	_ =	shalt  }
0x48: {  	_ =	shalt  }
0x49: {  	_ =	shalt  }
0x4a: {  	_ =	shalt  }
0x4b: {  	_ =	shalt  }
0x4c: {  	_ =	shalt  }
0x4d: {  	_ =	shalt  }
0x4e: {  	_ =	shalt  }
0x4f: {  	_ =	shalt  }
0x50: {  	_ =	shalt  }
0x51: {  	_ =	shalt  }
0x52: {  	_ =	shalt  }
0x53: {  	_ =	shalt  }
0x54: {  	_ =	shalt  }
0x55: {  	_ =	shalt  }
0x56: {  	_ =	shalt  }
0x57: {  	_ =	shalt  }
0x58: {  	_ =	shalt  }
0x59: {  	_ =	shalt  }
0x5a: {  	_ =	shalt  }
0x5b: {  	_ =	shalt  }
0x5c: {  	_ =	shalt  }
0x5d: {  	_ =	shalt  }
0x5e: {  	_ =	shalt  }
0x5f: {  	_ =	shalt  }
0x60: {  	_ =	shalt  }
0x61: {  	_ =	shalt  }
0x62: {  	_ =	shalt  }
0x63: {  	_ =	shalt  }
0x64: {  	_ =	shalt  }
0x65: {  	_ =	shalt  }
0x66: {  	_ =	shalt  }
0x67: {  	_ =	shalt  }
0x68: {  	_ =	shalt  }
0x69: {  	_ =	shalt  }
0x6a: {  	_ =	shalt  }
0x6b: {  	_ =	shalt  }
0x6c: {  	_ =	shalt  }
0x6d: {  	_ =	shalt  }
0x6e: {  	_ =	shalt  }
0x6f: {  	_ =	shalt  }
0x70: {  	_ =	shalt  }
0x71: {  	_ =	shalt  }
0x72: {  	_ =	shalt  }
0x73: {  	_ =	shalt  }
0x74: {  	_ =	shalt  }
0x75: {  	_ =	shalt  }
0x76: {  	_ =	shalt  }
0x77: {  	_ =	shalt  }
0x78: {  	_ =	shalt  }
0x79: {  	_ =	shalt  }
0x7a: {  	_ =	shalt  }
0x7b: {  	_ =	shalt  }
0x7c: {  	_ =	shalt  }
0x7d: {  	_ =	shalt  }
0x7e: {  	_ =	shalt  }
0x7f: {  	_ =	shalt  }
0x80: {  	_ =	shalt  }
0x81: {  	_ =	shalt  }
0x82: {  	_ =	shalt  }
0x83: {  	_ =	shalt  }
0x84: {  	_ =	shalt  }
0x85: {  	_ =	shalt  }
0x86: {  	_ =	shalt  }
0x87: {  	_ =	shalt  }
.Lfunc_end0:
.L_simem_size_0:
called_computation_lowered:
.L_overlay_start_0:
0x88: {  	s2 =	sld [smem:$0x3FD9]  }
0x89: {  	s3 =	sld [smem:$0x3FFE];
	_ =	sdelay $0x1  }
0x8a: {  	s1 =	srdreg.scid  }
0x8b: {  	s0 =	sand.u32 $0x1, s1  }
0x8c: {  	s14 =	sshll.u32 s0, $0xA;
	s2 =	sadd.s32 s3, s2  }
0x8d: {  	s2 =	sadd.s32 s2, s14  }
0x8e: {  	[smem:$0x3FC6] =	sst s2  }
0x8f: {  	_ = 	snop  }
0x90: {  	s2 =	sld [smem:$0x3FD0];
	_ =	sdelay $0x2  }
0x91: {  	s15 =	simm.s32 $0xA;
	s4 =	simm.s32 $0x10  }
0x92: {  	[smem:s4], [sflag:s15] =	dma.local [hbm:s2], $0x1  }
0x93: {  	_ =	swait.eq [sflag:s15], $0x1  }
0x94: {  	[sflag:s15] =	ssyncset.done $0x0  }
0x95: {  	s16 =	sld [smem:$0x10];
	[sflag:s15] =	ssyncadd.s32 $0xFFFFFFFF  }
0x96: {  	s17 =	sld [smem:$0x11];
	(tm) =	ssettm $0x1  }
0x97: {  	s18 =	sld [smem:$0x3FFB];
	_ =	sdelay $0x3  }
0x98: {  	_ =	strace s18  }
0x99: {  	s4 =	sld [smem:$0x3FFC];
	_ =	sdelay $0x3  }
0x9a: {  	_ =	strace s4  }
0x9b: {  	s4 =	sld [smem:$0x3FFD];
	_ =	sdelay $0x3  }
0x9c: {  	_ =	strace s4  }
0x9d: {  	_ =	strace $0x8FFFFFFF  }
0x9e: {  	s19 =	sld [smem:$0x3FDB];
	_ =	sdelay $0x1  }
0x9f: {  	s5 =	simm.s32 $_scs_section_size  }
0xa0: {  	s6 =	simm.s32 $_size__tile_overlayer_lowered;
	s7 =	simm.s32 $_tile_overlayer_lowered  }
0xa1: {  	s22 =	simm.s32 $0x1BFF;
	s21 =	sshll.u32 s7, $0x1;
	s4 =	sadd.s32 s5, s19  }
0xa2: {  	s8 =	simm.s32 $0x0;
	s20 =	sshll.u32 s6, $0x1;
	s6 =	sadd.s32 s21, s4  }
0xa3: {  	[timem:s8], [sflag:s22] =	dma.local [hbm:s6], s20  }
0xa4: {  	_ =	swait.ge [sflag:s22], s20  }
0xa5: {  	s5 =	ssub.s32 $0x0, s20;
	[sflag:s22] =	ssyncset.done $0x0  }
0xa6: {  	[sflag:s22] =	ssyncadd.s32 s5;
	_ =	sdelay $0x1  }
0xa7: {  	s23 =	simm.s32 $0x1B8B  }
0xa8: {  	_ =	swait.ge [sflag:s23], $0x1  }
0xa9: {  	[sflag:s23] =	ssyncset.done $0x0  }
0xaa: {  	s25 =	simm.s32 $0x1B8E;
	s24 =	sld [smem:$0x3FFE];
	[sflag:s23] =	ssyncadd.s32 $0xFFFFFFFF  }
0xab: {  	s26 =	simm.s32 $execute0_lowered;
	[smem:$0x3FD2] =	sst s25  }
0xac: {  	s6 =	sshll.u32 s26, $0x1;
	_ =	strace $0x80000046;
	[dreg:$0x1] =	wrdreg $0xFFFFFFFF  }
0xad: {  	s28 =	simm.s32 $_size_execute0_lowered;
	s4 =	sadd.s32 s4, s6;
	[dreg:$0x0] =	wrdreg $0x0  }
0xae: {  	s6 =	sshll.u32 s28, $0x1;
	[dreg:$0x2] =	wrdreg s4  }
0xaf: {  	[dreg:$0x3] =	wrdreg s6  }
0xb0: {  	[dreg:$0x4] =	wrdreg $0xC0  }
0xb1: {  	_ =	task [dreg:s8], $0x5FFFF  }
0xb2: {  	[dreg:$0x1] =	wrdreg $0xFFFFFFFF  }
0xb3: {  	[dreg:$0x0] =	wrdreg $0x60  }
0xb4: {  	[dreg:$0x2] =	wrdreg s24  }
0xb5: {  	[dreg:$0x3] =	wrdreg s16  }
0xb6: {  	[dreg:$0x4] =	wrdreg s17  }
0xb7: {  	[dreg:$0x5] =	wrdreg $0x9  }
0xb8: {  	_ =	task.clear_ibuf [dreg:s8], $0x6FFFF;
	_ =	strace $0x90000046  }
0xb9: {  	s29 =	simm.s32 $0x9;
	_ =	strace $0x80000048  }
0xba: {  	_ =	swait.ge [sflag:s29], $0x1  }
0xbb: {  	[sflag:s29] =	ssyncadd.s32 $0xFFFFFFFF  }
0xbc: {  	_ =	strace $0x90000048  }
0xbd: {  	_ =	sfence  }
0xbe: {  	s30 =	sld [smem:$0x0];
	_ =	sdelay $0x2  }
0xbf: {  	s31 =	sshll.u32 s1, $0xD;
	s1 =	sshrl.u32 s1, $0x2  }
0xc0: {  	s3 =	sand.u32 $0x4000, s31;
	s1 =	sadd.s32 s1, s30  }
0xc1: {  	s0 =	sor.u32 s3, s0;
	s1 =	sshll.u32 s1, $0x11  }
0xc2: {  	s0 =	sor.u32 s1, s0  }
0xc3: {  	s0 =	sadd.s32 $0x8F2B, s0  }
0xc4: {  	[sflag:s0] =	ssyncadd.remote.s32 $0x1  }
0xc5: {  	_ =	sfence.sel $0xFFFF  }
0xc6: {  	[dreg:$0x0] =	wrdreg $0xFFFFFFFF;
	(pc) =	sbr.abs _section_cstart, $3  }
0xc7: {  	[dreg:$0x1] =	wrdreg $0xFFFFFFFF  }
0xc8: {  	_ =	task.clear_ibuf [dreg:s8], $0x2FFFF;
	_ =	strace $0x9FFFFFFF  }
0xc9: {  	(tm) =	ssettm $0x7FFFFFFF  }
tec
execute0_lowered:
.L_overlay_start_1:
0x0: {  	(tag) =	ssettag $0x1  }
0x1: {  	s3 =	rddreg [dreg:$0x0]  }
0x2: {  	s4 =	rddreg [dreg:$0x1]  }
0x3: {  	s5 =	rddreg [dreg:$0x2]  }
0x4: {  	s0 =	rddreg [dreg:$0x3];
	s2 =	simm.s32 $0x0;
	s6 =	srdreg.scid  }
0x5: {  	s1 =	stileid.u32;
	s9 =	simm.s32 $0x2800;
	s10 =	simm.s32 $0x1  }
0x6: {  	s11 =	simm.s32 $0x0;
	[smem:$0x7FF] =	sst s2;
	s6 =	sand.u32 $0x1, s6  }
0x7: {  	s7 =	sshll.u32 s1, $0xB;
	s8 =	sshll.u32 s6, $0xA;
	s6 =	ssub.s32 $0x2, s6  }
0x8: {  	_ =	strace $0x80000047;
	s7 =	sor.u32 s8, s7;
	s31 =	sshrl.u32 s6, $0x1  }
0x9: {  	s8 =	simm.s32 $0x2000;
	s3 =	sadd.s32 s7, s3;
	s7 =	sshrl.u32 s7, $0x2  }
0xa: {  	s6 =	ssub.s32 s6, s31;
	s3 =	sadd.s32 $0xE00, s3;
	s4 =	sadd.s32 s4, s7  }
0xb: {  	v0 =	vimm.s32 $0x0;
	s5 =	sadd.s32 s5, s7;
	s6 =	smax.u32 s6, $0x1;
	s7 =	simm.s32 $0x2  }
.LBB2_1:
0xc: {  	[tilespmem:s2], [sflag:$0x2] =	stream.linear.gather [hbm4b:s3+s2], $0x2000, $0x38;
	[tilespmem:$0x3000] =	vst v63  }
0xd: {  	_ =	swait.ge [sflag:s7], $0x2000  }
0xe: {  	[sflag:s7] =	ssyncset.done $0x0  }
0xf: {  	s12 =	simm.s32 $0x200;
	s13 =	simm.s32 $0x0;
	[sflag:s7] =	ssyncadd.s32 $0xFFFFE000  }
.LBB2_2:
0x10: {  	v1 =	vld [tilespmem:s12+$0xFFFFFE00]  }
0x11: {  	v2 =	vld [tilespmem:s12+$0xFFFFFE80]  }
0x12: {  	v3 =	vld [tilespmem:s12+$0xFFFFFF00]  }
0x13: {  	v4 =	vld [tilespmem:s12+$0xFFFFFF80]  }
0x14: {  	v5 =	vld [tilespmem:s12+$0x0]  }
0x15: {  	v6 =	vld [tilespmem:s12+$0x80]  }
0x16: {  	v7 =	vld [tilespmem:s12+$0x100];
	v8 =	vmax.f32 v1, v2  }
0x17: {  	v9 =	vld [tilespmem:s12+$0x180];
	v8 =	vmax.f32 v8, v3  }
0x18: {  	v8 =	vmax.f32 v8, v4  }
0x19: {  	v8 =	vmax.f32 v8, v5  }
0x1a: {  	v8 =	vmax.f32 v8, v6  }
0x1b: {  	v8 =	vmax.f32 v8, v7  }
0x1c: {  	v8 =	vmax.f32 v8, v9  }
0x1d: {  	vm0 =	veq.f32 v9, v8  }
0x1e: {  	vm11 =	veq.f32 v7, v8;
	v10 =	vsel vm0, $0x7, v0  }
0x1f: {  	vm12 =	veq.f32 v6, v8;
	v10 =	vsel vm11, $0x6, v10  }
0x20: {  	vm13 =	veq.f32 v5, v8;
	v10 =	vsel vm12, $0x5, v10  }
0x21: {  	vm14 =	veq.f32 v4, v8;
	v10 =	vsel vm13, $0x4, v10  }
0x22: {  	vm15 =	veq.f32 v3, v8;
	v10 =	vsel vm14, $0x3, v10  }
0x23: {  	vm4 =	veq.f32 v2, v8;
	v10 =	vsel vm15, $0x2, v10  }
0x24: {  	vm1 =	vne.f32 v1, v8;
	v10 =	vsel vm4, $0x1, v10  }
0x25: {  	v10 =	vnsel vm1, $0x0, v10  }
0x26: {  	vm0 =	vmand vm1, vm4;
	vm2 =	veq.s32 v10, $0x0  }
0x27: {  	v2 =	vsel vm0, $0xFF800000, v2;
	vm5 =	veq.s32 v10, $0x2;
	v1 =	vsel vm2, $0xFF800000, v1  }
0x28: {  	vm6 =	veq.s32 v10, $0x3;
	v3 =	vsel vm5, $0xFF800000, v3;
	v11 =	vmax.f32 v1, v2  }
0x29: {  	vm7 =	veq.s32 v10, $0x4;
	v4 =	vsel vm6, $0xFF800000, v4;
	v11 =	vmax.f32 v11, v3  }
0x2a: {  	vm8 =	veq.s32 v10, $0x5;
	v5 =	vsel vm7, $0xFF800000, v5;
	v11 =	vmax.f32 v11, v4  }
0x2b: {  	vm9 =	veq.s32 v10, $0x6;
	v6 =	vsel vm8, $0xFF800000, v6;
	v11 =	vmax.f32 v11, v5  }
0x2c: {  	vm10 =	veq.s32 v10, $0x7;
	v7 =	vsel vm9, $0xFF800000, v7;
	v11 =	vmax.f32 v11, v6  }
0x2d: {  	v9 =	vsel vm10, $0xFF800000, v9;
	v11 =	vmax.f32 v11, v7  }
0x2e: {  	v11 =	vmax.f32 v11, v9  }
0x2f: {  	v8 =	vsub.f32 v11, v8;
	_ =	sdelay $0x1  }
0x30: {  	v8 =	vmul.f32 $1.442695020e+00, v8;
	_ =	sdelay $0x1  }
0x31: {  	(erf) = vpow2.f32 v8;
	_ =	sdelay $0x8  }
0x32: {  	v8 =	vpop (erf)  }
0x33: {  	v12 =	vadd.f32 $1.000000000e+00, v8;
	_ =	sdelay $0x1  }
0x34: {  	(erf) = vrcp.f32 v12  }
0x35: {  	vm0 =	veq.f32 v9, v11  }
0x36: {  	vm11 =	veq.f32 v7, v11;
	v9 =	vsel vm0, $0x7, v0  }
0x37: {  	vm12 =	veq.f32 v6, v11;
	v7 =	vsel vm11, $0x6, v9  }
0x38: {  	vm13 =	veq.f32 v5, v11;
	v6 =	vsel vm12, $0x5, v7  }
0x39: {  	vm14 =	veq.f32 v4, v11;
	v5 =	vsel vm13, $0x4, v6  }
0x3a: {  	vm15 =	veq.f32 v3, v11;
	v5 =	vsel vm14, $0x3, v5  }
0x3b: {  	vm4 =	veq.f32 v2, v11;
	v5 =	vsel vm15, $0x2, v5  }
0x3c: {  	s14 =	sshra.s32 s13, $0x2;
	vm5 =	veq.f32 v1, v11;
	v2 =	vsel vm4, $0x1, v5  }
0x3d: {  	[tilespmem:s14+$0x2800] =	vst v10;
	v1 =	vsel vm5, $0x0, v2;
	v52 =	vpop (erf)  }
0x3e: {  	[tilespmem:s14+$0x2880] =	vst v1;
	v3 =	vmul.f32 v52, v8  }
0x3f: {  	[tilespmem:s14+$0x2000] =	vst v52  }
0x40: {  	[tilespmem:s14+$0x2080] =	vst v3  }
0x41: {  	v1 =	vld [tilespmem:s12+$0xFFFFFE10]  }
0x42: {  	v2 =	vld [tilespmem:s12+$0xFFFFFE90]  }
0x43: {  	v3 =	vld [tilespmem:s12+$0xFFFFFF10]  }
0x44: {  	v4 =	vld [tilespmem:s12+$0xFFFFFF90]  }
0x45: {  	v53 =	vld [tilespmem:s12+$0x10]  }
0x46: {  	v54 =	vld [tilespmem:s12+$0x90]  }
0x47: {  	v55 =	vld [tilespmem:s12+$0x110];
	v56 =	vmax.f32 v1, v2  }
0x48: {  	v57 =	vld [tilespmem:s12+$0x190];
	v8 =	vmax.f32 v56, v3  }
0x49: {  	v8 =	vmax.f32 v8, v4  }
0x4a: {  	v8 =	vmax.f32 v8, v53  }
0x4b: {  	v8 =	vmax.f32 v8, v54  }
0x4c: {  	v8 =	vmax.f32 v8, v55  }
0x4d: {  	v8 =	vmax.f32 v8, v57  }
0x4e: {  	vm6 =	veq.f32 v57, v8  }
0x4f: {  	vm7 =	veq.f32 v55, v8;
	v58 =	vsel vm6, $0x7, v0  }
0x50: {  	vm8 =	veq.f32 v54, v8;
	v10 =	vsel vm7, $0x6, v58  }
0x51: {  	vm9 =	veq.f32 v53, v8;
	v10 =	vsel vm8, $0x5, v10  }
0x52: {  	vm10 =	veq.f32 v4, v8;
	v10 =	vsel vm9, $0x4, v10  }
0x53: {  	vm11 =	veq.f32 v3, v8;
	v10 =	vsel vm10, $0x3, v10  }
0x54: {  	vm12 =	veq.f32 v2, v8;
	v10 =	vsel vm11, $0x2, v10  }
0x55: {  	vm13 =	vne.f32 v1, v8;
	v10 =	vsel vm12, $0x1, v10  }
0x56: {  	v10 =	vnsel vm13, $0x0, v10  }
0x57: {  	vm0 =	vmand vm13, vm12;
	vm14 =	veq.s32 v10, $0x0  }
0x58: {  	v2 =	vsel vm0, $0xFF800000, v2;
	vm15 =	veq.s32 v10, $0x2;
	v1 =	vsel vm14, $0xFF800000, v1  }
0x59: {  	vm4 =	veq.s32 v10, $0x3;
	v3 =	vsel vm15, $0xFF800000, v3;
	v59 =	vmax.f32 v1, v2  }
0x5a: {  	vm5 =	veq.s32 v10, $0x4;
	v4 =	vsel vm4, $0xFF800000, v4;
	v11 =	vmax.f32 v59, v3  }
0x5b: {  	vm6 =	veq.s32 v10, $0x5;
	v5 =	vsel vm5, $0xFF800000, v53;
	v11 =	vmax.f32 v11, v4  }
0x5c: {  	vm7 =	veq.s32 v10, $0x6;
	v6 =	vsel vm6, $0xFF800000, v54;
	v11 =	vmax.f32 v11, v5  }
0x5d: {  	vm8 =	veq.s32 v10, $0x7;
	v7 =	vsel vm7, $0xFF800000, v55;
	v11 =	vmax.f32 v11, v6  }
0x5e: {  	v9 =	vsel vm8, $0xFF800000, v57;
	v11 =	vmax.f32 v11, v7  }
0x5f: {  	v11 =	vmax.f32 v11, v9  }
0x60: {  	v8 =	vsub.f32 v11, v8;
	_ =	sdelay $0x1  }
0x61: {  	v8 =	vmul.f32 $1.442695020e+00, v8;
	_ =	sdelay $0x1  }
0x62: {  	(erf) = vpow2.f32 v8;
	_ =	sdelay $0x8  }
0x63: {  	v8 =	vpop (erf)  }
0x64: {  	v60 =	vadd.f32 $1.000000000e+00, v8;
	_ =	sdelay $0x1  }
0x65: {  	(erf) = vrcp.f32 v60  }
0x66: {  	vm0 =	veq.f32 v9, v11  }
0x67: {  	vm9 =	veq.f32 v7, v11;
	v9 =	vsel vm0, $0x7, v0  }
0x68: {  	vm10 =	veq.f32 v6, v11;
	v7 =	vsel vm9, $0x6, v9  }
0x69: {  	vm11 =	veq.f32 v5, v11;
	v6 =	vsel vm10, $0x5, v7  }
0x6a: {  	vm12 =	veq.f32 v4, v11;
	v5 =	vsel vm11, $0x4, v6  }
0x6b: {  	vm13 =	veq.f32 v3, v11;
	v5 =	vsel vm12, $0x3, v5  }
0x6c: {  	vm14 =	veq.f32 v2, v11;
	v5 =	vsel vm13, $0x2, v5  }
0x6d: {  	vm15 =	veq.f32 v1, v11;
	v2 =	vsel vm14, $0x1, v5  }
0x6e: {  	[tilespmem:s14+$0x2810] =	vst v10;
	v1 =	vsel vm15, $0x0, v2;
	v61 =	vpop (erf)  }
0x6f: {  	[tilespmem:s14+$0x2890] =	vst v1;
	v3 =	vmul.f32 v61, v8  }
0x70: {  	[tilespmem:s14+$0x2010] =	vst v61  }
0x71: {  	[tilespmem:s14+$0x2090] =	vst v3  }
0x72: {  	v1 =	vld [tilespmem:s12+$0xFFFFFE20]  }
0x73: {  	v2 =	vld [tilespmem:s12+$0xFFFFFEA0]  }
0x74: {  	v3 =	vld [tilespmem:s12+$0xFFFFFF20]  }
0x75: {  	v4 =	vld [tilespmem:s12+$0xFFFFFFA0]  }
0x76: {  	v62 =	vld [tilespmem:s12+$0x20]  }
0x77: {  	v63 =	vld [tilespmem:s12+$0xA0]  }
0x78: {  	v12 =	vld [tilespmem:s12+$0x120];
	v13 =	vmax.f32 v1, v2  }
0x79: {  	v14 =	vld [tilespmem:s12+$0x1A0];
	v8 =	vmax.f32 v13, v3  }
0x7a: {  	v8 =	vmax.f32 v8, v4  }
0x7b: {  	v8 =	vmax.f32 v8, v62  }
0x7c: {  	v8 =	vmax.f32 v8, v63  }
0x7d: {  	v8 =	vmax.f32 v8, v12  }
0x7e: {  	v8 =	vmax.f32 v8, v14  }
0x7f: {  	vm4 =	veq.f32 v14, v8  }
0x80: {  	vm5 =	veq.f32 v12, v8;
	v15 =	vsel vm4, $0x7, v0  }
0x81: {  	vm6 =	veq.f32 v63, v8;
	v10 =	vsel vm5, $0x6, v15  }
0x82: {  	vm7 =	veq.f32 v62, v8;
	v10 =	vsel vm6, $0x5, v10  }
0x83: {  	vm8 =	veq.f32 v4, v8;
	v10 =	vsel vm7, $0x4, v10  }
0x84: {  	vm9 =	veq.f32 v3, v8;
	v10 =	vsel vm8, $0x3, v10  }
0x85: {  	vm10 =	veq.f32 v2, v8;
	v10 =	vsel vm9, $0x2, v10  }
0x86: {  	vm11 =	vne.f32 v1, v8;
	v10 =	vsel vm10, $0x1, v10  }
0x87: {  	v10 =	vnsel vm11, $0x0, v10  }
0x88: {  	vm0 =	vmand vm11, vm10;
	vm12 =	veq.s32 v10, $0x0  }
0x89: {  	v2 =	vsel vm0, $0xFF800000, v2;
	vm13 =	veq.s32 v10, $0x2;
	v1 =	vsel vm12, $0xFF800000, v1  }
0x8a: {  	vm14 =	veq.s32 v10, $0x3;
	v3 =	vsel vm13, $0xFF800000, v3;
	v16 =	vmax.f32 v1, v2  }
0x8b: {  	vm15 =	veq.s32 v10, $0x4;
	v4 =	vsel vm14, $0xFF800000, v4;
	v11 =	vmax.f32 v16, v3  }
0x8c: {  	vm4 =	veq.s32 v10, $0x5;
	v5 =	vsel vm15, $0xFF800000, v62;
	v11 =	vmax.f32 v11, v4  }
0x8d: {  	vm5 =	veq.s32 v10, $0x6;
	v6 =	vsel vm4, $0xFF800000, v63;
	v11 =	vmax.f32 v11, v5  }
0x8e: {  	vm6 =	veq.s32 v10, $0x7;
	v7 =	vsel vm5, $0xFF800000, v12;
	v11 =	vmax.f32 v11, v6  }
0x8f: {  	v9 =	vsel vm6, $0xFF800000, v14;
	v11 =	vmax.f32 v11, v7  }
0x90: {  	v11 =	vmax.f32 v11, v9  }
0x91: {  	v8 =	vsub.f32 v11, v8;
	_ =	sdelay $0x1  }
0x92: {  	v8 =	vmul.f32 $1.442695020e+00, v8;
	_ =	sdelay $0x1  }
0x93: {  	(erf) = vpow2.f32 v8;
	_ =	sdelay $0x8  }
0x94: {  	v8 =	vpop (erf)  }
0x95: {  	v17 =	vadd.f32 $1.000000000e+00, v8;
	_ =	sdelay $0x1  }
0x96: {  	(erf) = vrcp.f32 v17  }
0x97: {  	vm0 =	veq.f32 v9, v11  }
0x98: {  	vm7 =	veq.f32 v7, v11;
	v9 =	vsel vm0, $0x7, v0  }
0x99: {  	vm8 =	veq.f32 v6, v11;
	v7 =	vsel vm7, $0x6, v9  }
0x9a: {  	vm9 =	veq.f32 v5, v11;
	v6 =	vsel vm8, $0x5, v7  }
0x9b: {  	vm10 =	veq.f32 v4, v11;
	v5 =	vsel vm9, $0x4, v6  }
0x9c: {  	vm11 =	veq.f32 v3, v11;
	v5 =	vsel vm10, $0x3, v5  }
0x9d: {  	vm12 =	veq.f32 v2, v11;
	v5 =	vsel vm11, $0x2, v5  }
0x9e: {  	vm13 =	veq.f32 v1, v11;
	v2 =	vsel vm12, $0x1, v5  }
0x9f: {  	[tilespmem:s14+$0x2820] =	vst v10;
	v1 =	vsel vm13, $0x0, v2;
	v18 =	vpop (erf)  }
0xa0: {  	[tilespmem:s14+$0x28A0] =	vst v1;
	v3 =	vmul.f32 v18, v8  }
0xa1: {  	[tilespmem:s14+$0x2020] =	vst v18  }
0xa2: {  	[tilespmem:s14+$0x20A0] =	vst v3  }
0xa3: {  	v1 =	vld [tilespmem:s12+$0xFFFFFE30]  }
0xa4: {  	v2 =	vld [tilespmem:s12+$0xFFFFFEB0]  }
0xa5: {  	v3 =	vld [tilespmem:s12+$0xFFFFFF30]  }
0xa6: {  	v4 =	vld [tilespmem:s12+$0xFFFFFFB0]  }
0xa7: {  	v19 =	vld [tilespmem:s12+$0x30]  }
0xa8: {  	v20 =	vld [tilespmem:s12+$0xB0]  }
0xa9: {  	v21 =	vld [tilespmem:s12+$0x130];
	v22 =	vmax.f32 v1, v2  }
0xaa: {  	v23 =	vld [tilespmem:s12+$0x1B0];
	v8 =	vmax.f32 v22, v3  }
0xab: {  	v8 =	vmax.f32 v8, v4  }
0xac: {  	v8 =	vmax.f32 v8, v19  }
0xad: {  	v8 =	vmax.f32 v8, v20  }
0xae: {  	v8 =	vmax.f32 v8, v21  }
0xaf: {  	v8 =	vmax.f32 v8, v23  }
0xb0: {  	vm14 =	veq.f32 v23, v8  }
0xb1: {  	vm15 =	veq.f32 v21, v8;
	v24 =	vsel vm14, $0x7, v0  }
0xb2: {  	vm4 =	veq.f32 v20, v8;
	v10 =	vsel vm15, $0x6, v24  }
0xb3: {  	vm5 =	veq.f32 v19, v8;
	v10 =	vsel vm4, $0x5, v10  }
0xb4: {  	vm6 =	veq.f32 v4, v8;
	v10 =	vsel vm5, $0x4, v10  }
0xb5: {  	vm7 =	veq.f32 v3, v8;
	v10 =	vsel vm6, $0x3, v10  }
0xb6: {  	vm8 =	veq.f32 v2, v8;
	v10 =	vsel vm7, $0x2, v10  }
0xb7: {  	vm9 =	vne.f32 v1, v8;
	v10 =	vsel vm8, $0x1, v10  }
0xb8: {  	v10 =	vnsel vm9, $0x0, v10  }
0xb9: {  	vm0 =	vmand vm9, vm8;
	vm10 =	veq.s32 v10, $0x0  }
0xba: {  	v2 =	vsel vm0, $0xFF800000, v2;
	vm11 =	veq.s32 v10, $0x2;
	v1 =	vsel vm10, $0xFF800000, v1  }
0xbb: {  	vm12 =	veq.s32 v10, $0x3;
	v3 =	vsel vm11, $0xFF800000, v3;
	v25 =	vmax.f32 v1, v2  }
0xbc: {  	vm13 =	veq.s32 v10, $0x4;
	v4 =	vsel vm12, $0xFF800000, v4;
	v11 =	vmax.f32 v25, v3  }
0xbd: {  	vm14 =	veq.s32 v10, $0x5;
	v5 =	vsel vm13, $0xFF800000, v19;
	v11 =	vmax.f32 v11, v4  }
0xbe: {  	vm15 =	veq.s32 v10, $0x6;
	v6 =	vsel vm14, $0xFF800000, v20;
	v11 =	vmax.f32 v11, v5  }
0xbf: {  	vm4 =	veq.s32 v10, $0x7;
	v7 =	vsel vm15, $0xFF800000, v21;
	v11 =	vmax.f32 v11, v6  }
0xc0: {  	v9 =	vsel vm4, $0xFF800000, v23;
	v11 =	vmax.f32 v11, v7  }
0xc1: {  	v11 =	vmax.f32 v11, v9  }
0xc2: {  	v8 =	vsub.f32 v11, v8;
	_ =	sdelay $0x1  }
0xc3: {  	v8 =	vmul.f32 $1.442695020e+00, v8;
	_ =	sdelay $0x1  }
0xc4: {  	(erf) = vpow2.f32 v8;
	_ =	sdelay $0x8  }
0xc5: {  	v8 =	vpop (erf)  }
0xc6: {  	v26 =	vadd.f32 $1.000000000e+00, v8;
	_ =	sdelay $0x1  }
0xc7: {  	(erf) = vrcp.f32 v26  }
0xc8: {  	vm0 =	veq.f32 v9, v11  }
0xc9: {  	vm5 =	veq.f32 v7, v11;
	v9 =	vsel vm0, $0x7, v0  }
0xca: {  	vm6 =	veq.f32 v6, v11;
	v7 =	vsel vm5, $0x6, v9  }
0xcb: {  	vm7 =	veq.f32 v5, v11;
	v6 =	vsel vm6, $0x5, v7  }
0xcc: {  	vm8 =	veq.f32 v4, v11;
	v5 =	vsel vm7, $0x4, v6  }
0xcd: {  	vm9 =	veq.f32 v3, v11;
	v5 =	vsel vm8, $0x3, v5  }
0xce: {  	vm10 =	veq.f32 v2, v11;
	v5 =	vsel vm9, $0x2, v5  }
0xcf: {  	vm11 =	veq.f32 v1, v11;
	v2 =	vsel vm10, $0x1, v5  }
0xd0: {  	[tilespmem:s14+$0x2830] =	vst v10;
	v1 =	vsel vm11, $0x0, v2;
	v27 =	vpop (erf)  }
0xd1: {  	[tilespmem:s14+$0x28B0] =	vst v1;
	v3 =	vmul.f32 v27, v8  }
0xd2: {  	[tilespmem:s14+$0x2030] =	vst v27  }
0xd3: {  	[tilespmem:s14+$0x20B0] =	vst v3  }
0xd4: {  	v1 =	vld [tilespmem:s12+$0xFFFFFE40]  }
0xd5: {  	v2 =	vld [tilespmem:s12+$0xFFFFFEC0]  }
0xd6: {  	v3 =	vld [tilespmem:s12+$0xFFFFFF40]  }
0xd7: {  	v4 =	vld [tilespmem:s12+$0xFFFFFFC0]  }
0xd8: {  	v28 =	vld [tilespmem:s12+$0x40]  }
0xd9: {  	v29 =	vld [tilespmem:s12+$0xC0]  }
0xda: {  	v30 =	vld [tilespmem:s12+$0x140];
	v31 =	vmax.f32 v1, v2  }
0xdb: {  	v32 =	vld [tilespmem:s12+$0x1C0];
	v8 =	vmax.f32 v31, v3  }
0xdc: {  	v8 =	vmax.f32 v8, v4  }
0xdd: {  	v8 =	vmax.f32 v8, v28  }
0xde: {  	v8 =	vmax.f32 v8, v29  }
0xdf: {  	v8 =	vmax.f32 v8, v30  }
0xe0: {  	v8 =	vmax.f32 v8, v32  }
0xe1: {  	vm12 =	veq.f32 v32, v8  }
0xe2: {  	vm13 =	veq.f32 v30, v8;
	v33 =	vsel vm12, $0x7, v0  }
0xe3: {  	vm14 =	veq.f32 v29, v8;
	v10 =	vsel vm13, $0x6, v33  }
0xe4: {  	vm15 =	veq.f32 v28, v8;
	v10 =	vsel vm14, $0x5, v10  }
0xe5: {  	vm4 =	veq.f32 v4, v8;
	v10 =	vsel vm15, $0x4, v10  }
0xe6: {  	vm5 =	veq.f32 v3, v8;
	v10 =	vsel vm4, $0x3, v10  }
0xe7: {  	vm6 =	veq.f32 v2, v8;
	v10 =	vsel vm5, $0x2, v10  }
0xe8: {  	vm7 =	vne.f32 v1, v8;
	v10 =	vsel vm6, $0x1, v10  }
0xe9: {  	v10 =	vnsel vm7, $0x0, v10  }
0xea: {  	vm0 =	vmand vm7, vm6;
	vm8 =	veq.s32 v10, $0x0  }
0xeb: {  	v2 =	vsel vm0, $0xFF800000, v2;
	vm9 =	veq.s32 v10, $0x2;
	v1 =	vsel vm8, $0xFF800000, v1  }
0xec: {  	vm10 =	veq.s32 v10, $0x3;
	v3 =	vsel vm9, $0xFF800000, v3;
	v34 =	vmax.f32 v1, v2  }
0xed: {  	vm11 =	veq.s32 v10, $0x4;
	v4 =	vsel vm10, $0xFF800000, v4;
	v11 =	vmax.f32 v34, v3  }
0xee: {  	vm12 =	veq.s32 v10, $0x5;
	v5 =	vsel vm11, $0xFF800000, v28;
	v11 =	vmax.f32 v11, v4  }
0xef: {  	vm13 =	veq.s32 v10, $0x6;
	v6 =	vsel vm12, $0xFF800000, v29;
	v11 =	vmax.f32 v11, v5  }
0xf0: {  	vm14 =	veq.s32 v10, $0x7;
	v7 =	vsel vm13, $0xFF800000, v30;
	v11 =	vmax.f32 v11, v6  }
0xf1: {  	v9 =	vsel vm14, $0xFF800000, v32;
	v11 =	vmax.f32 v11, v7  }
0xf2: {  	v11 =	vmax.f32 v11, v9  }
0xf3: {  	v8 =	vsub.f32 v11, v8;
	_ =	sdelay $0x1  }
0xf4: {  	v8 =	vmul.f32 $1.442695020e+00, v8;
	_ =	sdelay $0x1  }
0xf5: {  	(erf) = vpow2.f32 v8;
	_ =	sdelay $0x8  }
0xf6: {  	v8 =	vpop (erf)  }
0xf7: {  	v35 =	vadd.f32 $1.000000000e+00, v8;
	_ =	sdelay $0x1  }
0xf8: {  	(erf) = vrcp.f32 v35  }
0xf9: {  	vm0 =	veq.f32 v9, v11  }
0xfa: {  	vm15 =	veq.f32 v7, v11;
	v9 =	vsel vm0, $0x7, v0  }
0xfb: {  	vm4 =	veq.f32 v6, v11;
	v7 =	vsel vm15, $0x6, v9  }
0xfc: {  	vm5 =	veq.f32 v5, v11;
	v6 =	vsel vm4, $0x5, v7  }
0xfd: {  	vm6 =	veq.f32 v4, v11;
	v5 =	vsel vm5, $0x4, v6  }
0xfe: {  	vm7 =	veq.f32 v3, v11;
	v5 =	vsel vm6, $0x3, v5  }
0xff: {  	vm8 =	veq.f32 v2, v11;
	v5 =	vsel vm7, $0x2, v5  }
0x100: {  	vm9 =	veq.f32 v1, v11;
	v2 =	vsel vm8, $0x1, v5  }
0x101: {  	[tilespmem:s14+$0x2840] =	vst v10;
	v1 =	vsel vm9, $0x0, v2;
	v36 =	vpop (erf)  }
0x102: {  	[tilespmem:s14+$0x28C0] =	vst v1;
	v3 =	vmul.f32 v36, v8  }
0x103: {  	[tilespmem:s14+$0x2040] =	vst v36  }
0x104: {  	[tilespmem:s14+$0x20C0] =	vst v3  }
0x105: {  	v1 =	vld [tilespmem:s12+$0xFFFFFE50]  }
0x106: {  	v2 =	vld [tilespmem:s12+$0xFFFFFED0]  }
0x107: {  	v3 =	vld [tilespmem:s12+$0xFFFFFF50]  }
0x108: {  	v4 =	vld [tilespmem:s12+$0xFFFFFFD0]  }
0x109: {  	v37 =	vld [tilespmem:s12+$0x50]  }
0x10a: {  	v38 =	vld [tilespmem:s12+$0xD0]  }
0x10b: {  	v39 =	vld [tilespmem:s12+$0x150];
	v40 =	vmax.f32 v1, v2  }
0x10c: {  	v41 =	vld [tilespmem:s12+$0x1D0];
	v8 =	vmax.f32 v40, v3  }
0x10d: {  	v8 =	vmax.f32 v8, v4  }
0x10e: {  	v8 =	vmax.f32 v8, v37  }
0x10f: {  	v8 =	vmax.f32 v8, v38  }
0x110: {  	v8 =	vmax.f32 v8, v39  }
0x111: {  	v8 =	vmax.f32 v8, v41  }
0x112: {  	vm10 =	veq.f32 v41, v8  }
0x113: {  	vm11 =	veq.f32 v39, v8;
	v42 =	vsel vm10, $0x7, v0  }
0x114: {  	vm12 =	veq.f32 v38, v8;
	v10 =	vsel vm11, $0x6, v42  }
0x115: {  	vm13 =	veq.f32 v37, v8;
	v10 =	vsel vm12, $0x5, v10  }
0x116: {  	vm14 =	veq.f32 v4, v8;
	v10 =	vsel vm13, $0x4, v10  }
0x117: {  	vm15 =	veq.f32 v3, v8;
	v10 =	vsel vm14, $0x3, v10  }
0x118: {  	vm4 =	veq.f32 v2, v8;
	v10 =	vsel vm15, $0x2, v10  }
0x119: {  	vm5 =	vne.f32 v1, v8;
	v10 =	vsel vm4, $0x1, v10  }
0x11a: {  	v10 =	vnsel vm5, $0x0, v10  }
0x11b: {  	vm0 =	vmand vm5, vm4;
	vm6 =	veq.s32 v10, $0x0  }
0x11c: {  	v2 =	vsel vm0, $0xFF800000, v2;
	vm7 =	veq.s32 v10, $0x2;
	v1 =	vsel vm6, $0xFF800000, v1  }
0x11d: {  	vm8 =	veq.s32 v10, $0x3;
	v3 =	vsel vm7, $0xFF800000, v3;
	v43 =	vmax.f32 v1, v2  }
0x11e: {  	vm9 =	veq.s32 v10, $0x4;
	v4 =	vsel vm8, $0xFF800000, v4;
	v11 =	vmax.f32 v43, v3  }
0x11f: {  	vm10 =	veq.s32 v10, $0x5;
	v5 =	vsel vm9, $0xFF800000, v37;
	v11 =	vmax.f32 v11, v4  }
0x120: {  	vm11 =	veq.s32 v10, $0x6;
	v6 =	vsel vm10, $0xFF800000, v38;
	v11 =	vmax.f32 v11, v5  }
0x121: {  	vm12 =	veq.s32 v10, $0x7;
	v7 =	vsel vm11, $0xFF800000, v39;
	v11 =	vmax.f32 v11, v6  }
0x122: {  	v9 =	vsel vm12, $0xFF800000, v41;
	v11 =	vmax.f32 v11, v7  }
0x123: {  	v11 =	vmax.f32 v11, v9  }
0x124: {  	v8 =	vsub.f32 v11, v8;
	_ =	sdelay $0x1  }
0x125: {  	v8 =	vmul.f32 $1.442695020e+00, v8;
	_ =	sdelay $0x1  }
0x126: {  	(erf) = vpow2.f32 v8;
	_ =	sdelay $0x8  }
0x127: {  	v8 =	vpop (erf)  }
0x128: {  	v44 =	vadd.f32 $1.000000000e+00, v8;
	_ =	sdelay $0x1  }
0x129: {  	(erf) = vrcp.f32 v44  }
0x12a: {  	vm0 =	veq.f32 v9, v11  }
0x12b: {  	vm13 =	veq.f32 v7, v11;
	v9 =	vsel vm0, $0x7, v0  }
0x12c: {  	vm14 =	veq.f32 v6, v11;
	v7 =	vsel vm13, $0x6, v9  }
0x12d: {  	vm15 =	veq.f32 v5, v11;
	v6 =	vsel vm14, $0x5, v7  }
0x12e: {  	vm4 =	veq.f32 v4, v11;
	v5 =	vsel vm15, $0x4, v6  }
0x12f: {  	vm5 =	veq.f32 v3, v11;
	v5 =	vsel vm4, $0x3, v5  }
0x130: {  	vm6 =	veq.f32 v2, v11;
	v5 =	vsel vm5, $0x2, v5  }
0x131: {  	vm7 =	veq.f32 v1, v11;
	v2 =	vsel vm6, $0x1, v5  }
0x132: {  	[tilespmem:s14+$0x2850] =	vst v10;
	v1 =	vsel vm7, $0x0, v2;
	v45 =	vpop (erf)  }
0x133: {  	[tilespmem:s14+$0x28D0] =	vst v1;
	v3 =	vmul.f32 v45, v8  }
0x134: {  	[tilespmem:s14+$0x2050] =	vst v45  }
0x135: {  	[tilespmem:s14+$0x20D0] =	vst v3  }
0x136: {  	v1 =	vld [tilespmem:s12+$0xFFFFFE60]  }
0x137: {  	v2 =	vld [tilespmem:s12+$0xFFFFFEE0]  }
0x138: {  	v3 =	vld [tilespmem:s12+$0xFFFFFF60]  }
0x139: {  	v4 =	vld [tilespmem:s12+$0xFFFFFFE0]  }
0x13a: {  	v46 =	vld [tilespmem:s12+$0x60]  }
0x13b: {  	v47 =	vld [tilespmem:s12+$0xE0]  }
0x13c: {  	v48 =	vld [tilespmem:s12+$0x160];
	v49 =	vmax.f32 v1, v2  }
0x13d: {  	v50 =	vld [tilespmem:s12+$0x1E0];
	v8 =	vmax.f32 v49, v3  }
0x13e: {  	v8 =	vmax.f32 v8, v4  }
0x13f: {  	v8 =	vmax.f32 v8, v46  }
0x140: {  	v8 =	vmax.f32 v8, v47  }
0x141: {  	v8 =	vmax.f32 v8, v48  }
0x142: {  	v8 =	vmax.f32 v8, v50  }
0x143: {  	vm8 =	veq.f32 v50, v8  }
0x144: {  	vm9 =	veq.f32 v48, v8;
	v51 =	vsel vm8, $0x7, v0  }
0x145: {  	vm10 =	veq.f32 v47, v8;
	v10 =	vsel vm9, $0x6, v51  }
0x146: {  	vm11 =	veq.f32 v46, v8;
	v10 =	vsel vm10, $0x5, v10  }
0x147: {  	vm12 =	veq.f32 v4, v8;
	v10 =	vsel vm11, $0x4, v10  }
0x148: {  	vm13 =	veq.f32 v3, v8;
	v10 =	vsel vm12, $0x3, v10  }
0x149: {  	vm14 =	veq.f32 v2, v8;
	v10 =	vsel vm13, $0x2, v10  }
0x14a: {  	vm15 =	vne.f32 v1, v8;
	v10 =	vsel vm14, $0x1, v10  }
0x14b: {  	v10 =	vnsel vm15, $0x0, v10  }
0x14c: {  	vm0 =	vmand vm15, vm14;
	vm4 =	veq.s32 v10, $0x0  }
0x14d: {  	v2 =	vsel vm0, $0xFF800000, v2;
	vm5 =	veq.s32 v10, $0x2;
	v1 =	vsel vm4, $0xFF800000, v1  }
0x14e: {  	vm6 =	veq.s32 v10, $0x3;
	v3 =	vsel vm5, $0xFF800000, v3;
	v52 =	vmax.f32 v1, v2  }
0x14f: {  	vm7 =	veq.s32 v10, $0x4;
	v4 =	vsel vm6, $0xFF800000, v4;
	v11 =	vmax.f32 v52, v3  }
0x150: {  	vm8 =	veq.s32 v10, $0x5;
	v5 =	vsel vm7, $0xFF800000, v46;
	v11 =	vmax.f32 v11, v4  }
0x151: {  	vm9 =	veq.s32 v10, $0x6;
	v6 =	vsel vm8, $0xFF800000, v47;
	v11 =	vmax.f32 v11, v5  }
0x152: {  	vm10 =	veq.s32 v10, $0x7;
	v7 =	vsel vm9, $0xFF800000, v48;
	v11 =	vmax.f32 v11, v6  }
0x153: {  	v9 =	vsel vm10, $0xFF800000, v50;
	v11 =	vmax.f32 v11, v7  }
0x154: {  	v11 =	vmax.f32 v11, v9  }
0x155: {  	v8 =	vsub.f32 v11, v8;
	_ =	sdelay $0x1  }
0x156: {  	v8 =	vmul.f32 $1.442695020e+00, v8;
	_ =	sdelay $0x1  }
0x157: {  	(erf) = vpow2.f32 v8;
	_ =	sdelay $0x8  }
0x158: {  	v8 =	vpop (erf)  }
0x159: {  	v53 =	vadd.f32 $1.000000000e+00, v8;
	_ =	sdelay $0x1  }
0x15a: {  	(erf) = vrcp.f32 v53  }
0x15b: {  	vm0 =	veq.f32 v9, v11  }
0x15c: {  	vm11 =	veq.f32 v7, v11;
	v9 =	vsel vm0, $0x7, v0  }
0x15d: {  	vm12 =	veq.f32 v6, v11;
	v7 =	vsel vm11, $0x6, v9  }
0x15e: {  	vm13 =	veq.f32 v5, v11;
	v6 =	vsel vm12, $0x5, v7  }
0x15f: {  	vm14 =	veq.f32 v4, v11;
	v5 =	vsel vm13, $0x4, v6  }
0x160: {  	vm15 =	veq.f32 v3, v11;
	v5 =	vsel vm14, $0x3, v5  }
0x161: {  	vm4 =	veq.f32 v2, v11;
	v5 =	vsel vm15, $0x2, v5  }
0x162: {  	vm5 =	veq.f32 v1, v11;
	v2 =	vsel vm4, $0x1, v5  }
0x163: {  	[tilespmem:s14+$0x2860] =	vst v10;
	v1 =	vsel vm5, $0x0, v2;
	v54 =	vpop (erf)  }
0x164: {  	[tilespmem:s14+$0x28E0] =	vst v1;
	v3 =	vmul.f32 v54, v8  }
0x165: {  	[tilespmem:s14+$0x2060] =	vst v54  }
0x166: {  	[tilespmem:s14+$0x20E0] =	vst v3  }
0x167: {  	v1 =	vld [tilespmem:s12+$0xFFFFFE70]  }
0x168: {  	v2 =	vld [tilespmem:s12+$0xFFFFFEF0]  }
0x169: {  	v3 =	vld [tilespmem:s12+$0xFFFFFF70]  }
0x16a: {  	v4 =	vld [tilespmem:s12+$0xFFFFFFF0]  }
0x16b: {  	v55 =	vld [tilespmem:s12+$0x70]  }
0x16c: {  	v56 =	vld [tilespmem:s12+$0xF0]  }
0x16d: {  	v57 =	vld [tilespmem:s12+$0x170];
	v58 =	vmax.f32 v1, v2  }
0x16e: {  	v59 =	vld [tilespmem:s12+$0x1F0];
	v8 =	vmax.f32 v58, v3  }
0x16f: {  	v8 =	vmax.f32 v8, v4  }
0x170: {  	v8 =	vmax.f32 v8, v55  }
0x171: {  	v8 =	vmax.f32 v8, v56  }
0x172: {  	v8 =	vmax.f32 v8, v57  }
0x173: {  	v8 =	vmax.f32 v8, v59  }
0x174: {  	vm6 =	veq.f32 v59, v8  }
0x175: {  	vm7 =	veq.f32 v57, v8;
	v60 =	vsel vm6, $0x7, v0  }
0x176: {  	vm8 =	veq.f32 v56, v8;
	v10 =	vsel vm7, $0x6, v60  }
0x177: {  	vm9 =	veq.f32 v55, v8;
	v10 =	vsel vm8, $0x5, v10  }
0x178: {  	vm10 =	veq.f32 v4, v8;
	v10 =	vsel vm9, $0x4, v10  }
0x179: {  	vm11 =	veq.f32 v3, v8;
	v10 =	vsel vm10, $0x3, v10  }
0x17a: {  	vm12 =	veq.f32 v2, v8;
	v10 =	vsel vm11, $0x2, v10  }
0x17b: {  	vm13 =	vne.f32 v1, v8;
	v10 =	vsel vm12, $0x1, v10  }
0x17c: {  	v10 =	vnsel vm13, $0x0, v10  }
0x17d: {  	vm0 =	vmand vm13, vm12;
	vm14 =	veq.s32 v10, $0x0  }
0x17e: {  	v2 =	vsel vm0, $0xFF800000, v2;
	vm15 =	veq.s32 v10, $0x2;
	v1 =	vsel vm14, $0xFF800000, v1  }
0x17f: {  	vm4 =	veq.s32 v10, $0x3;
	v3 =	vsel vm15, $0xFF800000, v3;
	v61 =	vmax.f32 v1, v2  }
0x180: {  	vm5 =	veq.s32 v10, $0x4;
	v4 =	vsel vm4, $0xFF800000, v4;
	v11 =	vmax.f32 v61, v3  }
0x181: {  	vm6 =	veq.s32 v10, $0x5;
	v5 =	vsel vm5, $0xFF800000, v55;
	v11 =	vmax.f32 v11, v4  }
0x182: {  	vm7 =	veq.s32 v10, $0x6;
	v6 =	vsel vm6, $0xFF800000, v56;
	v11 =	vmax.f32 v11, v5  }
0x183: {  	vm8 =	veq.s32 v10, $0x7;
	v7 =	vsel vm7, $0xFF800000, v57;
	v11 =	vmax.f32 v11, v6  }
0x184: {  	v9 =	vsel vm8, $0xFF800000, v59;
	v11 =	vmax.f32 v11, v7  }
0x185: {  	v11 =	vmax.f32 v11, v9  }
0x186: {  	v8 =	vsub.f32 v11, v8;
	_ =	sdelay $0x1  }
0x187: {  	v8 =	vmul.f32 $1.442695020e+00, v8;
	_ =	sdelay $0x1  }
0x188: {  	(erf) = vpow2.f32 v8;
	_ =	sdelay $0x8  }
0x189: {  	v8 =	vpop (erf)  }
0x18a: {  	v62 =	vadd.f32 $1.000000000e+00, v8;
	_ =	sdelay $0x1  }
0x18b: {  	(erf) = vrcp.f32 v62  }
0x18c: {  	vm0 =	veq.f32 v9, v11  }
0x18d: {  	vm9 =	veq.f32 v7, v11;
	v9 =	vsel vm0, $0x7, v0  }
0x18e: {  	vm10 =	veq.f32 v6, v11;
	v7 =	vsel vm9, $0x6, v9  }
0x18f: {  	vm11 =	veq.f32 v5, v11;
	v6 =	vsel vm10, $0x5, v7  }
0x190: {  	vm12 =	veq.f32 v4, v11;
	v5 =	vsel vm11, $0x4, v6  }
0x191: {  	vm13 =	veq.f32 v3, v11;
	v5 =	vsel vm12, $0x3, v5  }
0x192: {  	p0 =	sne.s32 s13, $0x1C00;
	vm14 =	veq.f32 v2, v11;
	v5 =	vsel vm13, $0x2, v5  }
.Ltmp0:
0x193: {  	vm15 =	veq.f32 v1, v11;
	v2 =	vsel vm14, $0x1, v5;
	(pc) =	sbr.rel @p0 .LBB2_2-.Ltmp0, $4  }
0x194: {  	[tilespmem:s14+$0x2870] =	vst v10;
	v1 =	vsel vm15, $0x0, v2;
	v63 =	vpop (erf)  }
0x195: {  	[tilespmem:s14+$0x28F0] =	vst v1;
	v3 =	vmul.f32 v63, v8  }
0x196: {  	[tilespmem:s14+$0x2070] =	vst v63  }
0x197: {  	s13 =	sadd.s32 $0x400, s13;
	s12 =	sadd.s32 $0x400, s12;
	[tilespmem:s14+$0x20F0] =	vst v3  }
0x198: {  	[hbm4b:s4+s2] =	stream.linear.scatter [tilespmem:s8], [sflag:$0x1], $0x800, $0x38;
	[tilespmem:$0x3000] =	vst v63  }
0x199: {  	s11 =	sadd.s32 $0x1, s11  }
0x19a: {  	[hbm4b:s5+s2] =	stream.linear.scatter [tilespmem:s9], [sflag:$0x1], $0x800, $0x38;
	[tilespmem:$0x3000] =	vst v63  }
0x19b: {  	p0 =	sne.s32 s11, s6;
	_ =	swait.ge [sflag:s10], $0x800  }
.Ltmp1:
0x19c: {  	[sflag:s10] =	ssyncset.done $0x0;
	(pc) =	sbr.rel @p0 .LBB2_1-.Ltmp1, $4  }
0x19d: {  	[sflag:s10] =	ssyncadd.s32 $0xFFFFF800  }
0x19e: {  	_ =	swait.ge [sflag:s10], $0x800  }
0x19f: {  	[sflag:s10] =	ssyncset.done $0x0  }
0x1a0: {  	[sflag:s10] =	ssyncadd.s32 $0xFFFFF800  }
0x1a1: {  	_ =	sfence.sel $0x180000  }
0x1a2: {  	[bflag:$0x0] =	sbarrier.arrive $0xFFFF  }
0x1a3: {  	p0 =	sne.s32 s1, $0x0;
	_ =	strace $0x90000047  }
0x1a4: {  	s0 =	sadd.s32 @!p0 $0x100000, s0;
	[bflag:$0x2] =	sbarrier.arrive $0xFFFF  }
0x1a5: {  	[sflag:s0] =	ssyncadd.tile.s32 @!p0 $0x1;
	_ =	shalt  }
.Lfunc_end2:
_tile_overlayer_lowered:
.L_overlay_start_2:
0x1a6: {  	(tag) =	ssettag $0x2  }
0x1a7: {  	s0 =	rddreg [dreg:$0x0];
	s2 =	stileid.u32  }
0x1a8: {  	s1 =	rddreg [dreg:$0x1];
	p0 =	sne.s32 s2, $0x0  }
0x1a9: {  	s3 =	rddreg [dreg:$0x2];
	[bflag:$0x3] =	sbarrier.arrive $0xFFFF;
	s2 =	simm.s32 @!p0 $0x1C02  }
0x1aa: {  	[timem:s3], [sflag:s2] =	dma.local @!p0 [hbm:s0], s1  }
0x1ab: {  	s0 =	simm.s32 @!p0 $0x2  }
0x1ac: {  	_ =	swait.ge @!p0 [sflag:s0], s1  }
0x1ad: {  	s1 =	ssub.s32 @!p0 $0x0, s1;
	[sflag:s0] =	ssyncset.done @!p0 $0x0  }
0x1ae: {  	[sflag:s0] =	ssyncadd.s32 @!p0 s1  }
0x1af: {  	[bflag:$0x3] =	sbarrier.arrive $0xFFFF  }
0x1b0: {  	_ =	shalt  }

</sc_bundles>
